<compile_context>
chip_gen: v7x
topology: tpu7x:2x2x1
jax: 0.10.2.dev20260603
libtpu: 0.0.44.dev20260713+nightly
codegen_flags: <defaults>
</compile_context>

<pallas_src>
import functools

import jax
import jax.numpy as jnp
from jax import lax
from jax.experimental import pallas as pl
from jax.experimental.pallas import tpu as pltpu
from jax.experimental.pallas import tpu_sc as plsc

HIDDEN_DIM = 128
VOCAB_ROWS = 118
N = 100000

_NC = 2
_NS = 16
_NW = _NC * _NS

_PER_W = 3136
_CHUNK = 392
_NCHUNK = _PER_W // _CHUNK
_PER_W_LAST = N - (_NW - 1) * _PER_W
_TAIL = _PER_W_LAST - (_NCHUNK - 1) * _CHUNK


@functools.partial(
    pl.kernel,
    mesh=plsc.VectorSubcoreMesh(core_axis_name="c", subcore_axis_name="s"),
    out_type=jax.ShapeDtypeStruct((N, HIDDEN_DIM), jnp.float32),
    scratch_types=[
        pltpu.VMEM((_PER_W,), jnp.int32),
        pltpu.VMEM((_CHUNK, HIDDEN_DIM), jnp.float32),
        pltpu.VMEM((_CHUNK, HIDDEN_DIM), jnp.float32),
        pltpu.VMEM_SHARED((VOCAB_ROWS, HIDDEN_DIM), jnp.float32),
        pltpu.SemaphoreType.DMA,
        pltpu.SemaphoreType.DMA,
        pltpu.SemaphoreType.DMA,
        pltpu.SemaphoreType.DMA,
        pltpu.SemaphoreType.DMA,
    ],
)
def _embedding_gather(table_hbm, idx_hbm, out_hbm, idx_all, rows0, rows1,
                      table_sh, tsem, gsem0, gsem1, osem0, osem1):
    wid = lax.axis_index("s") * _NC + lax.axis_index("c")
    base = wid * _PER_W
    rows = (rows0, rows1)
    gsem = (gsem0, gsem1)
    osem = (osem0, osem1)

    sid = lax.axis_index("s")
    tl = pltpu.make_async_copy(table_hbm, table_sh, tsem)

    @pl.when(sid == 0)
    def _():
        tl.start()

    @pl.when(wid < _NW - 1)
    def _():
        pltpu.sync_copy(idx_hbm.at[pl.ds(base, _PER_W)], idx_all)

    @pl.when(wid == _NW - 1)
    def _():
        pltpu.sync_copy(idx_hbm.at[pl.ds(base, _PER_W_LAST)],
                        idx_all.at[pl.ds(0, _PER_W_LAST)])

    @pl.when(sid == 0)
    def _():
        tl.wait()

    plsc.subcore_barrier()

    def chunk(k, nrows, b):
        pltpu.async_copy(
            table_sh.at[idx_all.at[pl.ds(k * _CHUNK, nrows)]],
            rows[b].at[pl.ds(0, nrows)], gsem[b]).wait()
        return pltpu.async_copy(
            rows[b].at[pl.ds(0, nrows)],
            out_hbm.at[pl.ds(base + k * _CHUNK, nrows)], osem[b])

    stores = [None, None]
    for k in range(_NCHUNK - 1):
        b = k & 1
        if stores[b] is not None:
            stores[b].wait()
        stores[b] = chunk(k, _CHUNK, b)

    stores[1].wait()

    @pl.when(wid < _NW - 1)
    def _():
        chunk(_NCHUNK - 1, _CHUNK, 1).wait()

    @pl.when(wid == _NW - 1)
    def _():
        chunk(_NCHUNK - 1, _TAIL, 1).wait()

    stores[0].wait()


def kernel(atom_num, table):
    idx = atom_num.astype(jnp.int32)
    return _embedding_gather(table, idx)

# --- scband reference (transcript-rebuilt; emitter-appended) ---
"""Pipeline reference for scband-encoder-26869315404056 (READ-ONLY COPY).

The authoritative reference and input builder live on the scoring server;
editing this copy changes nothing except your own understanding.
"""

import jax, jax.numpy as jnp
import numpy as np

HIDDEN_DIM = 128
VOCAB = 118
N = 100000

def setup_inputs(seed: int = 0) -> dict:
    key = jax.random.key(seed)
    k1, k2 = jax.random.split(key)
    atom_num = jax.random.randint(k1, (N,), 0, VOCAB, dtype=jnp.int64 if jax.config.jax_enable_x64 else jnp.int32)
    # Embedding table (learned parameter), default torch init is N(0,1)
    table = jax.random.normal(k2, (VOCAB, HIDDEN_DIM), dtype=jnp.float32)
    return {"atom_num": atom_num, "table": table}

def reference(atom_num, table):
    # Encoder.forward: atom_emb = Embedding(118, hidden_dim)(atom_num)
    atom_emb = jnp.take(table, atom_num, axis=0)
    return atom_emb

if __name__ == "__main__":
    import jax
    _d = setup_inputs()
    print(jax.jit(kernel)(*tuple(_d.values())))

</pallas_src>

<mosaic_0001>
#map = affine_map<(d0, d1) -> (0, 0)>
#map1 = affine_map<(d0, d1) -> (0)>
module attributes {stable_mosaic.version = 14 : i64} {
  func.func @_embedding_gather(%arg0: i32, %arg1: i32, %arg2: memref<118x128xf32, #tpu.memory_space<hbm>>, %arg3: memref<100000xi32, #tpu.memory_space<hbm>>, %arg4: memref<100000x128xf32, #tpu.memory_space<hbm>>, %arg5: memref<3136xi32, #tpu.memory_space<vmem>>, %arg6: memref<392x128xf32, #tpu.memory_space<vmem>>, %arg7: memref<392x128xf32, #tpu.memory_space<vmem>>, %arg8: memref<118x128xf32, #tpu.memory_space<vmem_shared>>, %arg9: memref<!tpu.dma_semaphore, #tpu.memory_space<semaphore_mem>>, %arg10: memref<!tpu.dma_semaphore, #tpu.memory_space<semaphore_mem>>, %arg11: memref<!tpu.dma_semaphore, #tpu.memory_space<semaphore_mem>>, %arg12: memref<!tpu.dma_semaphore, #tpu.memory_space<semaphore_mem>>, %arg13: memref<!tpu.dma_semaphore, #tpu.memory_space<semaphore_mem>>) attributes {dimension_semantics = [#tpu.dimension_semantics<core_parallel>, #tpu.dimension_semantics<subcore_parallel>], iteration_bounds = array<i64: 2, 16>, scalar_prefetch = 0 : i64, scratch_operands = 9 : i64, tpu.core_type = #tpu.core_type<sc_vector_subcore>, window_params = [{transform_indices = #map}, {transform_indices = #map1}, {transform_indices = #map}]} {
    %mul3A = arith.constant 2 : i32
    %mul3A_0 = arith.muli %arg1, %mul3A : i32
    %add3A = arith.addi %mul3A_0, %arg0 : i32
    %mul3A_1 = arith.constant 3136 : i32
    %mul3A_2 = arith.muli %add3A, %mul3A_1 : i32
    %eq3A = arith.constant 0 : i32
    %eq3A_3 = arith.cmpi eq, %arg1, %eq3A : i32
    %convert_element_type3A = arith.extui %eq3A_3 : i1 to i32
    %cond3A = arith.constant 0 : i32
    %cond3A_4 = arith.cmpi ne, %convert_element_type3A, %cond3A : i32
    scf.if %cond3A_4 {
      tpu.enqueue_dma source(%arg2 : memref<118x128xf32, #tpu.memory_space<hbm>>) target(%arg8 : memref<118x128xf32, #tpu.memory_space<vmem_shared>>) target_semaphore(%arg9 : memref<!tpu.dma_semaphore, #tpu.memory_space<semaphore_mem>>)
    } else {
    }
    %lt3A = arith.constant 31 : i32
    %lt3A_5 = arith.cmpi slt, %add3A, %lt3A : i32
    %convert_element_type3A_6 = arith.extui %lt3A_5 : i1 to i32
    %cond3A_7 = arith.constant 0 : i32
    %cond3A_8 = arith.cmpi ne, %convert_element_type3A_6, %cond3A_7 : i32
    scf.if %cond3A_8 {
      "tpu.region"() ({
        %run_scoped3A = tpu.sem_alloc : memref<!tpu.dma_semaphore, #tpu.memory_space<semaphore_mem>>
        %dma_start3A_293 = tpu.memref_slice %arg3[%mul3A_2] : memref<100000xi32, #tpu.memory_space<hbm>> -> memref<3136xi32, #tpu.memory_space<hbm>>
        %dma_start3A_294 = tpu.memref_slice %arg3[%mul3A_2] : memref<100000xi32, #tpu.memory_space<hbm>> -> memref<3136xi32, #tpu.memory_space<hbm>>
        tpu.enqueue_dma source(%dma_start3A_294 : memref<3136xi32, #tpu.memory_space<hbm>>) target(%arg5 : memref<3136xi32, #tpu.memory_space<vmem>>) target_semaphore(%run_scoped3A : memref<!tpu.dma_semaphore, #tpu.memory_space<semaphore_mem>>)
        %dma_wait3A_295 = tpu.memref_slice %arg3[%mul3A_2] : memref<100000xi32, #tpu.memory_space<hbm>> -> memref<3136xi32, #tpu.memory_space<hbm>>
        %dma_wait3A_296 = tpu.memref_slice %arg3[%mul3A_2] : memref<100000xi32, #tpu.memory_space<hbm>> -> memref<3136xi32, #tpu.memory_space<hbm>>
        tpu.wait_dma2 semaphore(%run_scoped3A : memref<!tpu.dma_semaphore, #tpu.memory_space<semaphore_mem>>) src(%dma_wait3A_296 : memref<3136xi32, #tpu.memory_space<hbm>>) dst(%arg5 : memref<3136xi32, #tpu.memory_space<vmem>>)
        tpu.yield
      }) : () -> ()
    } else {
    }
    %eq3A_9 = arith.constant 31 : i32
    %eq3A_10 = arith.cmpi eq, %add3A, %eq3A_9 : i32
    %convert_element_type3A_11 = arith.extui %eq3A_10 : i1 to i32
    %cond3A_12 = arith.constant 0 : i32
    %cond3A_13 = arith.cmpi ne, %convert_element_type3A_11, %cond3A_12 : i32
    scf.if %cond3A_13 {
      "tpu.region"() ({
        %run_scoped3A = tpu.sem_alloc : memref<!tpu.dma_semaphore, #tpu.memory_space<semaphore_mem>>
        %dma_start3A_293 = arith.constant 0 : i32
        %dma_start3A_294 = tpu.memref_slice %arg5[%dma_start3A_293] : memref<3136xi32, #tpu.memory_space<vmem>> -> memref<2784xi32, #tpu.memory_space<vmem>>
        %dma_start3A_295 = tpu.memref_slice %arg3[%mul3A_2] : memref<100000xi32, #tpu.memory_space<hbm>> -> memref<2784xi32, #tpu.memory_space<hbm>>
        %dma_start3A_296 = arith.constant 0 : i32
        %dma_start3A_297 = tpu.memref_slice %arg5[%dma_start3A_296] : memref<3136xi32, #tpu.memory_space<vmem>> -> memref<2784xi32, #tpu.memory_space<vmem>>
        %dma_start3A_298 = tpu.memref_slice %arg3[%mul3A_2] : memref<100000xi32, #tpu.memory_space<hbm>> -> memref<2784xi32, #tpu.memory_space<hbm>>
        tpu.enqueue_dma source(%dma_start3A_298 : memref<2784xi32, #tpu.memory_space<hbm>>) target(%dma_start3A_297 : memref<2784xi32, #tpu.memory_space<vmem>>) target_semaphore(%run_scoped3A : memref<!tpu.dma_semaphore, #tpu.memory_space<semaphore_mem>>)
        %dma_wait3A_299 = arith.constant 0 : i32
        %dma_wait3A_300 = tpu.memref_slice %arg5[%dma_wait3A_299] : memref<3136xi32, #tpu.memory_space<vmem>> -> memref<2784xi32, #tpu.memory_space<vmem>>
        %dma_wait3A_301 = tpu.memref_slice %arg3[%mul3A_2] : memref<100000xi32, #tpu.memory_space<hbm>> -> memref<2784xi32, #tpu.memory_space<hbm>>
        %dma_wait3A_302 = arith.constant 0 : i32
        %dma_wait3A_303 = tpu.memref_slice %arg5[%dma_wait3A_302] : memref<3136xi32, #tpu.memory_space<vmem>> -> memref<2784xi32, #tpu.memory_space<vmem>>
        %dma_wait3A_304 = tpu.memref_slice %arg3[%mul3A_2] : memref<100000xi32, #tpu.memory_space<hbm>> -> memref<2784xi32, #tpu.memory_space<hbm>>
        tpu.wait_dma2 semaphore(%run_scoped3A : memref<!tpu.dma_semaphore, #tpu.memory_space<semaphore_mem>>) src(%dma_wait3A_304 : memref<2784xi32, #tpu.memory_space<hbm>>) dst(%dma_wait3A_303 : memref<2784xi32, #tpu.memory_space<vmem>>)
        tpu.yield
      }) : () -> ()
    } else {
    }
    %eq3A_14 = arith.constant 0 : i32
    %eq3A_15 = arith.cmpi eq, %arg1, %eq3A_14 : i32
    %convert_element_type3A_16 = arith.extui %eq3A_15 : i1 to i32
    %cond3A_17 = arith.constant 0 : i32
    %cond3A_18 = arith.cmpi ne, %convert_element_type3A_16, %cond3A_17 : i32
    scf.if %cond3A_18 {
      tpu.wait_dma2 semaphore(%arg9 : memref<!tpu.dma_semaphore, #tpu.memory_space<semaphore_mem>>) src(%arg2 : memref<118x128xf32, #tpu.memory_space<hbm>>) dst(%arg8 : memref<118x128xf32, #tpu.memory_space<vmem_shared>>)
    } else {
    }
    %barrier3A = arith.constant 0 : index
    tpu.barrier barrier_id(%barrier3A)
    %dma_start3A = arith.constant 0 : i32
    %dma_start3A_19 = arith.constant 0 : i32
    %dma_start3A_20 = tpu.memref_slice %arg6[%dma_start3A, %dma_start3A_19] : memref<392x128xf32, #tpu.memory_space<vmem>> -> memref<392x128xf32, #tpu.memory_space<vmem>>
    %dma_start3A_21 = arith.constant 0 : i32
    %dma_start3A_22 = tpu.memref_slice %arg5[%dma_start3A_21] : memref<3136xi32, #tpu.memory_space<vmem>> -> memref<392xi32, #tpu.memory_space<vmem>>
    %dma_start3A_23 = arith.constant 0 : i32
    %dma_start3A_24 = arith.constant 0 : i32
    %dma_start3A_25 = tpu.memref_slice %arg8[%dma_start3A_23, %dma_start3A_24] : memref<118x128xf32, #tpu.memory_space<vmem_shared>> -> memref<118x128xf32, #tpu.memory_space<vmem_shared>>
    tpu.enqueue_indirect_dma source(%dma_start3A_25 : memref<118x128xf32, #tpu.memory_space<vmem_shared>>) target(%dma_start3A_20 : memref<392x128xf32, #tpu.memory_space<vmem>>) offsets(%dma_start3A_22 : memref<392xi32, #tpu.memory_space<vmem>>) semaphore(%arg10 : memref<!tpu.dma_semaphore, #tpu.memory_space<semaphore_mem>>)
    %dma_wait3A = arith.constant 0 : i32
    %dma_wait3A_26 = arith.constant 0 : i32
    %dma_wait3A_27 = tpu.memref_slice %arg6[%dma_wait3A, %dma_wait3A_26] : memref<392x128xf32, #tpu.memory_space<vmem>> -> memref<392x128xf32, #tpu.memory_space<vmem>>
    %dma_wait3A_28 = arith.constant 0 : i32
    %dma_wait3A_29 = tpu.memref_slice %arg5[%dma_wait3A_28] : memref<3136xi32, #tpu.memory_space<vmem>> -> memref<392xi32, #tpu.memory_space<vmem>>
    %dma_wait3A_30 = arith.constant 0 : i32
    %dma_wait3A_31 = arith.constant 0 : i32
    %dma_wait3A_32 = tpu.memref_slice %arg8[%dma_wait3A_30, %dma_wait3A_31] : memref<118x128xf32, #tpu.memory_space<vmem_shared>> -> memref<118x128xf32, #tpu.memory_space<vmem_shared>>
    tpu.wait_indirect_dma semaphore(%arg10 : memref<!tpu.dma_semaphore, #tpu.memory_space<semaphore_mem>>) src(%dma_wait3A_32 : memref<118x128xf32, #tpu.memory_space<vmem_shared>>) dst(%dma_wait3A_27 : memref<392x128xf32, #tpu.memory_space<vmem>>)
    %add3A_33 = arith.constant 0 : i32
    %add3A_34 = arith.addi %mul3A_2, %add3A_33 : i32
    %dma_start3A_35 = arith.constant 0 : i32
    %dma_start3A_36 = arith.constant 0 : i32
    %dma_start3A_37 = tpu.memref_slice %arg6[%dma_start3A_35, %dma_start3A_36] : memref<392x128xf32, #tpu.memory_space<vmem>> -> memref<392x128xf32, #tpu.memory_space<vmem>>
    %dma_start3A_38 = arith.constant 0 : i32
    %dma_start3A_39 = tpu.memref_slice %arg4[%add3A_34, %dma_start3A_38] : memref<100000x128xf32, #tpu.memory_space<hbm>> -> memref<392x128xf32, #tpu.memory_space<hbm>>
    %dma_start3A_40 = arith.constant 0 : i32
    %dma_start3A_41 = tpu.memref_slice %arg4[%add3A_34, %dma_start3A_40] : memref<100000x128xf32, #tpu.memory_space<hbm>> -> memref<392x128xf32, #tpu.memory_space<hbm>>
    %dma_start3A_42 = arith.constant 0 : i32
    %dma_start3A_43 = arith.constant 0 : i32
    %dma_start3A_44 = tpu.memref_slice %arg6[%dma_start3A_42, %dma_start3A_43] : memref<392x128xf32, #tpu.memory_space<vmem>> -> memref<392x128xf32, #tpu.memory_space<vmem>>
    tpu.enqueue_dma source(%dma_start3A_44 : memref<392x128xf32, #tpu.memory_space<vmem>>) target(%dma_start3A_41 : memref<392x128xf32, #tpu.memory_space<hbm>>) target_semaphore(%arg12 : memref<!tpu.dma_semaphore, #tpu.memory_space<semaphore_mem>>)
    %dma_start3A_45 = arith.constant 0 : i32
    %dma_start3A_46 = arith.constant 0 : i32
    %dma_start3A_47 = tpu.memref_slice %arg7[%dma_start3A_45, %dma_start3A_46] : memref<392x128xf32, #tpu.memory_space<vmem>> -> memref<392x128xf32, #tpu.memory_space<vmem>>
    %dma_start3A_48 = arith.constant 392 : i32
    %dma_start3A_49 = tpu.memref_slice %arg5[%dma_start3A_48] : memref<3136xi32, #tpu.memory_space<vmem>> -> memref<392xi32, #tpu.memory_space<vmem>>
    %dma_start3A_50 = arith.constant 0 : i32
    %dma_start3A_51 = arith.constant 0 : i32
    %dma_start3A_52 = tpu.memref_slice %arg8[%dma_start3A_50, %dma_start3A_51] : memref<118x128xf32, #tpu.memory_space<vmem_shared>> -> memref<118x128xf32, #tpu.memory_space<vmem_shared>>
    tpu.enqueue_indirect_dma source(%dma_start3A_52 : memref<118x128xf32, #tpu.memory_space<vmem_shared>>) target(%dma_start3A_47 : memref<392x128xf32, #tpu.memory_space<vmem>>) offsets(%dma_start3A_49 : memref<392xi32, #tpu.memory_space<vmem>>) semaphore(%arg11 : memref<!tpu.dma_semaphore, #tpu.memory_space<semaphore_mem>>)
    %dma_wait3A_53 = arith.constant 0 : i32
    %dma_wait3A_54 = arith.constant 0 : i32
    %dma_wait3A_55 = tpu.memref_slice %arg7[%dma_wait3A_53, %dma_wait3A_54] : memref<392x128xf32, #tpu.memory_space<vmem>> -> memref<392x128xf32, #tpu.memory_space<vmem>>
    %dma_wait3A_56 = arith.constant 392 : i32
    %dma_wait3A_57 = tpu.memref_slice %arg5[%dma_wait3A_56] : memref<3136xi32, #tpu.memory_space<vmem>> -> memref<392xi32, #tpu.memory_space<vmem>>
    %dma_wait3A_58 = arith.constant 0 : i32
    %dma_wait3A_59 = arith.constant 0 : i32
    %dma_wait3A_60 = tpu.memref_slice %arg8[%dma_wait3A_58, %dma_wait3A_59] : memref<118x128xf32, #tpu.memory_space<vmem_shared>> -> memref<118x128xf32, #tpu.memory_space<vmem_shared>>
    tpu.wait_indirect_dma semaphore(%arg11 : memref<!tpu.dma_semaphore, #tpu.memory_space<semaphore_mem>>) src(%dma_wait3A_60 : memref<118x128xf32, #tpu.memory_space<vmem_shared>>) dst(%dma_wait3A_55 : memref<392x128xf32, #tpu.memory_space<vmem>>)
    %add3A_61 = arith.constant 392 : i32
    %add3A_62 = arith.addi %mul3A_2, %add3A_61 : i32
    %dma_start3A_63 = arith.constant 0 : i32
    %dma_start3A_64 = arith.constant 0 : i32
    %dma_start3A_65 = tpu.memref_slice %arg7[%dma_start3A_63, %dma_start3A_64] : memref<392x128xf32, #tpu.memory_space<vmem>> -> memref<392x128xf32, #tpu.memory_space<vmem>>
    %dma_start3A_66 = arith.constant 0 : i32
    %dma_start3A_67 = tpu.memref_slice %arg4[%add3A_62, %dma_start3A_66] : memref<100000x128xf32, #tpu.memory_space<hbm>> -> memref<392x128xf32, #tpu.memory_space<hbm>>
    %dma_start3A_68 = arith.constant 0 : i32
    %dma_start3A_69 = tpu.memref_slice %arg4[%add3A_62, %dma_start3A_68] : memref<100000x128xf32, #tpu.memory_space<hbm>> -> memref<392x128xf32, #tpu.memory_space<hbm>>
    %dma_start3A_70 = arith.constant 0 : i32
    %dma_start3A_71 = arith.constant 0 : i32
    %dma_start3A_72 = tpu.memref_slice %arg7[%dma_start3A_70, %dma_start3A_71] : memref<392x128xf32, #tpu.memory_space<vmem>> -> memref<392x128xf32, #tpu.memory_space<vmem>>
    tpu.enqueue_dma source(%dma_start3A_72 : memref<392x128xf32, #tpu.memory_space<vmem>>) target(%dma_start3A_69 : memref<392x128xf32, #tpu.memory_space<hbm>>) target_semaphore(%arg13 : memref<!tpu.dma_semaphore, #tpu.memory_space<semaphore_mem>>)
    %dma_wait3A_73 = arith.constant 0 : i32
    %dma_wait3A_74 = arith.constant 0 : i32
    %dma_wait3A_75 = tpu.memref_slice %arg6[%dma_wait3A_73, %dma_wait3A_74] : memref<392x128xf32, #tpu.memory_space<vmem>> -> memref<392x128xf32, #tpu.memory_space<vmem>>
    %dma_wait3A_76 = arith.constant 0 : i32
    %dma_wait3A_77 = tpu.memref_slice %arg4[%add3A_34, %dma_wait3A_76] : memref<100000x128xf32, #tpu.memory_space<hbm>> -> memref<392x128xf32, #tpu.memory_space<hbm>>
    %dma_wait3A_78 = arith.constant 0 : i32
    %dma_wait3A_79 = tpu.memref_slice %arg4[%add3A_34, %dma_wait3A_78] : memref<100000x128xf32, #tpu.memory_space<hbm>> -> memref<392x128xf32, #tpu.memory_space<hbm>>
    %dma_wait3A_80 = arith.constant 0 : i32
    %dma_wait3A_81 = arith.constant 0 : i32
    %dma_wait3A_82 = tpu.memref_slice %arg6[%dma_wait3A_80, %dma_wait3A_81] : memref<392x128xf32, #tpu.memory_space<vmem>> -> memref<392x128xf32, #tpu.memory_space<vmem>>
    tpu.wait_dma2 semaphore(%arg12 : memref<!tpu.dma_semaphore, #tpu.memory_space<semaphore_mem>>) src(%dma_wait3A_82 : memref<392x128xf32, #tpu.memory_space<vmem>>) dst(%dma_wait3A_79 : memref<392x128xf32, #tpu.memory_space<hbm>>)
    %dma_start3A_83 = arith.constant 0 : i32
    %dma_start3A_84 = arith.constant 0 : i32
    %dma_start3A_85 = tpu.memref_slice %arg6[%dma_start3A_83, %dma_start3A_84] : memref<392x128xf32, #tpu.memory_space<vmem>> -> memref<392x128xf32, #tpu.memory_space<vmem>>
    %dma_start3A_86 = arith.constant 784 : i32
    %dma_start3A_87 = tpu.memref_slice %arg5[%dma_start3A_86] : memref<3136xi32, #tpu.memory_space<vmem>> -> memref<392xi32, #tpu.memory_space<vmem>>
    %dma_start3A_88 = arith.constant 0 : i32
    %dma_start3A_89 = arith.constant 0 : i32
    %dma_start3A_90 = tpu.memref_slice %arg8[%dma_start3A_88, %dma_start3A_89] : memref<118x128xf32, #tpu.memory_space<vmem_shared>> -> memref<118x128xf32, #tpu.memory_space<vmem_shared>>
    tpu.enqueue_indirect_dma source(%dma_start3A_90 : memref<118x128xf32, #tpu.memory_space<vmem_shared>>) target(%dma_start3A_85 : memref<392x128xf32, #tpu.memory_space<vmem>>) offsets(%dma_start3A_87 : memref<392xi32, #tpu.memory_space<vmem>>) semaphore(%arg10 : memref<!tpu.dma_semaphore, #tpu.memory_space<semaphore_mem>>)
    %dma_wait3A_91 = arith.constant 0 : i32
    %dma_wait3A_92 = arith.constant 0 : i32
    %dma_wait3A_93 = tpu.memref_slice %arg6[%dma_wait3A_91, %dma_wait3A_92] : memref<392x128xf32, #tpu.memory_space<vmem>> -> memref<392x128xf32, #tpu.memory_space<vmem>>
    %dma_wait3A_94 = arith.constant 784 : i32
    %dma_wait3A_95 = tpu.memref_slice %arg5[%dma_wait3A_94] : memref<3136xi32, #tpu.memory_space<vmem>> -> memref<392xi32, #tpu.memory_space<vmem>>
    %dma_wait3A_96 = arith.constant 0 : i32
    %dma_wait3A_97 = arith.constant 0 : i32
    %dma_wait3A_98 = tpu.memref_slice %arg8[%dma_wait3A_96, %dma_wait3A_97] : memref<118x128xf32, #tpu.memory_space<vmem_shared>> -> memref<118x128xf32, #tpu.memory_space<vmem_shared>>
    tpu.wait_indirect_dma semaphore(%arg10 : memref<!tpu.dma_semaphore, #tpu.memory_space<semaphore_mem>>) src(%dma_wait3A_98 : memref<118x128xf32, #tpu.memory_space<vmem_shared>>) dst(%dma_wait3A_93 : memref<392x128xf32, #tpu.memory_space<vmem>>)
    %add3A_99 = arith.constant 784 : i32
    %add3A_100 = arith.addi %mul3A_2, %add3A_99 : i32
    %dma_start3A_101 = arith.constant 0 : i32
    %dma_start3A_102 = arith.constant 0 : i32
    %dma_start3A_103 = tpu.memref_slice %arg6[%dma_start3A_101, %dma_start3A_102] : memref<392x128xf32, #tpu.memory_space<vmem>> -> memref<392x128xf32, #tpu.memory_space<vmem>>
    %dma_start3A_104 = arith.constant 0 : i32
    %dma_start3A_105 = tpu.memref_slice %arg4[%add3A_100, %dma_start3A_104] : memref<100000x128xf32, #tpu.memory_space<hbm>> -> memref<392x128xf32, #tpu.memory_space<hbm>>
    %dma_start3A_106 = arith.constant 0 : i32
    %dma_start3A_107 = tpu.memref_slice %arg4[%add3A_100, %dma_start3A_106] : memref<100000x128xf32, #tpu.memory_space<hbm>> -> memref<392x128xf32, #tpu.memory_space<hbm>>
    %dma_start3A_108 = arith.constant 0 : i32
    %dma_start3A_109 = arith.constant 0 : i32
    %dma_start3A_110 = tpu.memref_slice %arg6[%dma_start3A_108, %dma_start3A_109] : memref<392x128xf32, #tpu.memory_space<vmem>> -> memref<392x128xf32, #tpu.memory_space<vmem>>
    tpu.enqueue_dma source(%dma_start3A_110 : memref<392x128xf32, #tpu.memory_space<vmem>>) target(%dma_start3A_107 : memref<392x128xf32, #tpu.memory_space<hbm>>) target_semaphore(%arg12 : memref<!tpu.dma_semaphore, #tpu.memory_space<semaphore_mem>>)
    %dma_wait3A_111 = arith.constant 0 : i32
    %dma_wait3A_112 = arith.constant 0 : i32
    %dma_wait3A_113 = tpu.memref_slice %arg7[%dma_wait3A_111, %dma_wait3A_112] : memref<392x128xf32, #tpu.memory_space<vmem>> -> memref<392x128xf32, #tpu.memory_space<vmem>>
    %dma_wait3A_114 = arith.constant 0 : i32
    %dma_wait3A_115 = tpu.memref_slice %arg4[%add3A_62, %dma_wait3A_114] : memref<100000x128xf32, #tpu.memory_space<hbm>> -> memref<392x128xf32, #tpu.memory_space<hbm>>
    %dma_wait3A_116 = arith.constant 0 : i32
    %dma_wait3A_117 = tpu.memref_slice %arg4[%add3A_62, %dma_wait3A_116] : memref<100000x128xf32, #tpu.memory_space<hbm>> -> memref<392x128xf32, #tpu.memory_space<hbm>>
    %dma_wait3A_118 = arith.constant 0 : i32
    %dma_wait3A_119 = arith.constant 0 : i32
    %dma_wait3A_120 = tpu.memref_slice %arg7[%dma_wait3A_118, %dma_wait3A_119] : memref<392x128xf32, #tpu.memory_space<vmem>> -> memref<392x128xf32, #tpu.memory_space<vmem>>
    tpu.wait_dma2 semaphore(%arg13 : memref<!tpu.dma_semaphore, #tpu.memory_space<semaphore_mem>>) src(%dma_wait3A_120 : memref<392x128xf32, #tpu.memory_space<vmem>>) dst(%dma_wait3A_117 : memref<392x128xf32, #tpu.memory_space<hbm>>)
    %dma_start3A_121 = arith.constant 0 : i32
    %dma_start3A_122 = arith.constant 0 : i32
    %dma_start3A_123 = tpu.memref_slice %arg7[%dma_start3A_121, %dma_start3A_122] : memref<392x128xf32, #tpu.memory_space<vmem>> -> memref<392x128xf32, #tpu.memory_space<vmem>>
    %dma_start3A_124 = arith.constant 1176 : i32
    %dma_start3A_125 = tpu.memref_slice %arg5[%dma_start3A_124] : memref<3136xi32, #tpu.memory_space<vmem>> -> memref<392xi32, #tpu.memory_space<vmem>>
    %dma_start3A_126 = arith.constant 0 : i32
    %dma_start3A_127 = arith.constant 0 : i32
    %dma_start3A_128 = tpu.memref_slice %arg8[%dma_start3A_126, %dma_start3A_127] : memref<118x128xf32, #tpu.memory_space<vmem_shared>> -> memref<118x128xf32, #tpu.memory_space<vmem_shared>>
    tpu.enqueue_indirect_dma source(%dma_start3A_128 : memref<118x128xf32, #tpu.memory_space<vmem_shared>>) target(%dma_start3A_123 : memref<392x128xf32, #tpu.memory_space<vmem>>) offsets(%dma_start3A_125 : memref<392xi32, #tpu.memory_space<vmem>>) semaphore(%arg11 : memref<!tpu.dma_semaphore, #tpu.memory_space<semaphore_mem>>)
    %dma_wait3A_129 = arith.constant 0 : i32
    %dma_wait3A_130 = arith.constant 0 : i32
    %dma_wait3A_131 = tpu.memref_slice %arg7[%dma_wait3A_129, %dma_wait3A_130] : memref<392x128xf32, #tpu.memory_space<vmem>> -> memref<392x128xf32, #tpu.memory_space<vmem>>
    %dma_wait3A_132 = arith.constant 1176 : i32
    %dma_wait3A_133 = tpu.memref_slice %arg5[%dma_wait3A_132] : memref<3136xi32, #tpu.memory_space<vmem>> -> memref<392xi32, #tpu.memory_space<vmem>>
    %dma_wait3A_134 = arith.constant 0 : i32
    %dma_wait3A_135 = arith.constant 0 : i32
    %dma_wait3A_136 = tpu.memref_slice %arg8[%dma_wait3A_134, %dma_wait3A_135] : memref<118x128xf32, #tpu.memory_space<vmem_shared>> -> memref<118x128xf32, #tpu.memory_space<vmem_shared>>
    tpu.wait_indirect_dma semaphore(%arg11 : memref<!tpu.dma_semaphore, #tpu.memory_space<semaphore_mem>>) src(%dma_wait3A_136 : memref<118x128xf32, #tpu.memory_space<vmem_shared>>) dst(%dma_wait3A_131 : memref<392x128xf32, #tpu.memory_space<vmem>>)
    %add3A_137 = arith.constant 1176 : i32
    %add3A_138 = arith.addi %mul3A_2, %add3A_137 : i32
    %dma_start3A_139 = arith.constant 0 : i32
    %dma_start3A_140 = arith.constant 0 : i32
    %dma_start3A_141 = tpu.memref_slice %arg7[%dma_start3A_139, %dma_start3A_140] : memref<392x128xf32, #tpu.memory_space<vmem>> -> memref<392x128xf32, #tpu.memory_space<vmem>>
    %dma_start3A_142 = arith.constant 0 : i32
    %dma_start3A_143 = tpu.memref_slice %arg4[%add3A_138, %dma_start3A_142] : memref<100000x128xf32, #tpu.memory_space<hbm>> -> memref<392x128xf32, #tpu.memory_space<hbm>>
    %dma_start3A_144 = arith.constant 0 : i32
    %dma_start3A_145 = tpu.memref_slice %arg4[%add3A_138, %dma_start3A_144] : memref<100000x128xf32, #tpu.memory_space<hbm>> -> memref<392x128xf32, #tpu.memory_space<hbm>>
    %dma_start3A_146 = arith.constant 0 : i32
    %dma_start3A_147 = arith.constant 0 : i32
    %dma_start3A_148 = tpu.memref_slice %arg7[%dma_start3A_146, %dma_start3A_147] : memref<392x128xf32, #tpu.memory_space<vmem>> -> memref<392x128xf32, #tpu.memory_space<vmem>>
    tpu.enqueue_dma source(%dma_start3A_148 : memref<392x128xf32, #tpu.memory_space<vmem>>) target(%dma_start3A_145 : memref<392x128xf32, #tpu.memory_space<hbm>>) target_semaphore(%arg13 : memref<!tpu.dma_semaphore, #tpu.memory_space<semaphore_mem>>)
    %dma_wait3A_149 = arith.constant 0 : i32
    %dma_wait3A_150 = arith.constant 0 : i32
    %dma_wait3A_151 = tpu.memref_slice %arg6[%dma_wait3A_149, %dma_wait3A_150] : memref<392x128xf32, #tpu.memory_space<vmem>> -> memref<392x128xf32, #tpu.memory_space<vmem>>
    %dma_wait3A_152 = arith.constant 0 : i32
    %dma_wait3A_153 = tpu.memref_slice %arg4[%add3A_100, %dma_wait3A_152] : memref<100000x128xf32, #tpu.memory_space<hbm>> -> memref<392x128xf32, #tpu.memory_space<hbm>>
    %dma_wait3A_154 = arith.constant 0 : i32
    %dma_wait3A_155 = tpu.memref_slice %arg4[%add3A_100, %dma_wait3A_154] : memref<100000x128xf32, #tpu.memory_space<hbm>> -> memref<392x128xf32, #tpu.memory_space<hbm>>
    %dma_wait3A_156 = arith.constant 0 : i32
    %dma_wait3A_157 = arith.constant 0 : i32
    %dma_wait3A_158 = tpu.memref_slice %arg6[%dma_wait3A_156, %dma_wait3A_157] : memref<392x128xf32, #tpu.memory_space<vmem>> -> memref<392x128xf32, #tpu.memory_space<vmem>>
    tpu.wait_dma2 semaphore(%arg12 : memref<!tpu.dma_semaphore, #tpu.memory_space<semaphore_mem>>) src(%dma_wait3A_158 : memref<392x128xf32, #tpu.memory_space<vmem>>) dst(%dma_wait3A_155 : memref<392x128xf32, #tpu.memory_space<hbm>>)
    %dma_start3A_159 = arith.constant 0 : i32
    %dma_start3A_160 = arith.constant 0 : i32
    %dma_start3A_161 = tpu.memref_slice %arg6[%dma_start3A_159, %dma_start3A_160] : memref<392x128xf32, #tpu.memory_space<vmem>> -> memref<392x128xf32, #tpu.memory_space<vmem>>
    %dma_start3A_162 = arith.constant 1568 : i32
    %dma_start3A_163 = tpu.memref_slice %arg5[%dma_start3A_162] : memref<3136xi32, #tpu.memory_space<vmem>> -> memref<392xi32, #tpu.memory_space<vmem>>
    %dma_start3A_164 = arith.constant 0 : i32
    %dma_start3A_165 = arith.constant 0 : i32
    %dma_start3A_166 = tpu.memref_slice %arg8[%dma_start3A_164, %dma_start3A_165] : memref<118x128xf32, #tpu.memory_space<vmem_shared>> -> memref<118x128xf32, #tpu.memory_space<vmem_shared>>
    tpu.enqueue_indirect_dma source(%dma_start3A_166 : memref<118x128xf32, #tpu.memory_space<vmem_shared>>) target(%dma_start3A_161 : memref<392x128xf32, #tpu.memory_space<vmem>>) offsets(%dma_start3A_163 : memref<392xi32, #tpu.memory_space<vmem>>) semaphore(%arg10 : memref<!tpu.dma_semaphore, #tpu.memory_space<semaphore_mem>>)
    %dma_wait3A_167 = arith.constant 0 : i32
    %dma_wait3A_168 = arith.constant 0 : i32
    %dma_wait3A_169 = tpu.memref_slice %arg6[%dma_wait3A_167, %dma_wait3A_168] : memref<392x128xf32, #tpu.memory_space<vmem>> -> memref<392x128xf32, #tpu.memory_space<vmem>>
    %dma_wait3A_170 = arith.constant 1568 : i32
    %dma_wait3A_171 = tpu.memref_slice %arg5[%dma_wait3A_170] : memref<3136xi32, #tpu.memory_space<vmem>> -> memref<392xi32, #tpu.memory_space<vmem>>
    %dma_wait3A_172 = arith.constant 0 : i32
    %dma_wait3A_173 = arith.constant 0 : i32
    %dma_wait3A_174 = tpu.memref_slice %arg8[%dma_wait3A_172, %dma_wait3A_173] : memref<118x128xf32, #tpu.memory_space<vmem_shared>> -> memref<118x128xf32, #tpu.memory_space<vmem_shared>>
    tpu.wait_indirect_dma semaphore(%arg10 : memref<!tpu.dma_semaphore, #tpu.memory_space<semaphore_mem>>) src(%dma_wait3A_174 : memref<118x128xf32, #tpu.memory_space<vmem_shared>>) dst(%dma_wait3A_169 : memref<392x128xf32, #tpu.memory_space<vmem>>)
    %add3A_175 = arith.constant 1568 : i32
    %add3A_176 = arith.addi %mul3A_2, %add3A_175 : i32
    %dma_start3A_177 = arith.constant 0 : i32
    %dma_start3A_178 = arith.constant 0 : i32
    %dma_start3A_179 = tpu.memref_slice %arg6[%dma_start3A_177, %dma_start3A_178] : memref<392x128xf32, #tpu.memory_space<vmem>> -> memref<392x128xf32, #tpu.memory_space<vmem>>
    %dma_start3A_180 = arith.constant 0 : i32
    %dma_start3A_181 = tpu.memref_slice %arg4[%add3A_176, %dma_start3A_180] : memref<100000x128xf32, #tpu.memory_space<hbm>> -> memref<392x128xf32, #tpu.memory_space<hbm>>
    %dma_start3A_182 = arith.constant 0 : i32
    %dma_start3A_183 = tpu.memref_slice %arg4[%add3A_176, %dma_start3A_182] : memref<100000x128xf32, #tpu.memory_space<hbm>> -> memref<392x128xf32, #tpu.memory_space<hbm>>
    %dma_start3A_184 = arith.constant 0 : i32
    %dma_start3A_185 = arith.constant 0 : i32
    %dma_start3A_186 = tpu.memref_slice %arg6[%dma_start3A_184, %dma_start3A_185] : memref<392x128xf32, #tpu.memory_space<vmem>> -> memref<392x128xf32, #tpu.memory_space<vmem>>
    tpu.enqueue_dma source(%dma_start3A_186 : memref<392x128xf32, #tpu.memory_space<vmem>>) target(%dma_start3A_183 : memref<392x128xf32, #tpu.memory_space<hbm>>) target_semaphore(%arg12 : memref<!tpu.dma_semaphore, #tpu.memory_space<semaphore_mem>>)
    %dma_wait3A_187 = arith.constant 0 : i32
    %dma_wait3A_188 = arith.constant 0 : i32
    %dma_wait3A_189 = tpu.memref_slice %arg7[%dma_wait3A_187, %dma_wait3A_188] : memref<392x128xf32, #tpu.memory_space<vmem>> -> memref<392x128xf32, #tpu.memory_space<vmem>>
    %dma_wait3A_190 = arith.constant 0 : i32
    %dma_wait3A_191 = tpu.memref_slice %arg4[%add3A_138, %dma_wait3A_190] : memref<100000x128xf32, #tpu.memory_space<hbm>> -> memref<392x128xf32, #tpu.memory_space<hbm>>
    %dma_wait3A_192 = arith.constant 0 : i32
    %dma_wait3A_193 = tpu.memref_slice %arg4[%add3A_138, %dma_wait3A_192] : memref<100000x128xf32, #tpu.memory_space<hbm>> -> memref<392x128xf32, #tpu.memory_space<hbm>>
    %dma_wait3A_194 = arith.constant 0 : i32
    %dma_wait3A_195 = arith.constant 0 : i32
    %dma_wait3A_196 = tpu.memref_slice %arg7[%dma_wait3A_194, %dma_wait3A_195] : memref<392x128xf32, #tpu.memory_space<vmem>> -> memref<392x128xf32, #tpu.memory_space<vmem>>
    tpu.wait_dma2 semaphore(%arg13 : memref<!tpu.dma_semaphore, #tpu.memory_space<semaphore_mem>>) src(%dma_wait3A_196 : memref<392x128xf32, #tpu.memory_space<vmem>>) dst(%dma_wait3A_193 : memref<392x128xf32, #tpu.memory_space<hbm>>)
    %dma_start3A_197 = arith.constant 0 : i32
    %dma_start3A_198 = arith.constant 0 : i32
    %dma_start3A_199 = tpu.memref_slice %arg7[%dma_start3A_197, %dma_start3A_198] : memref<392x128xf32, #tpu.memory_space<vmem>> -> memref<392x128xf32, #tpu.memory_space<vmem>>
    %dma_start3A_200 = arith.constant 1960 : i32
    %dma_start3A_201 = tpu.memref_slice %arg5[%dma_start3A_200] : memref<3136xi32, #tpu.memory_space<vmem>> -> memref<392xi32, #tpu.memory_space<vmem>>
    %dma_start3A_202 = arith.constant 0 : i32
    %dma_start3A_203 = arith.constant 0 : i32
    %dma_start3A_204 = tpu.memref_slice %arg8[%dma_start3A_202, %dma_start3A_203] : memref<118x128xf32, #tpu.memory_space<vmem_shared>> -> memref<118x128xf32, #tpu.memory_space<vmem_shared>>
    tpu.enqueue_indirect_dma source(%dma_start3A_204 : memref<118x128xf32, #tpu.memory_space<vmem_shared>>) target(%dma_start3A_199 : memref<392x128xf32, #tpu.memory_space<vmem>>) offsets(%dma_start3A_201 : memref<392xi32, #tpu.memory_space<vmem>>) semaphore(%arg11 : memref<!tpu.dma_semaphore, #tpu.memory_space<semaphore_mem>>)
    %dma_wait3A_205 = arith.constant 0 : i32
    %dma_wait3A_206 = arith.constant 0 : i32
    %dma_wait3A_207 = tpu.memref_slice %arg7[%dma_wait3A_205, %dma_wait3A_206] : memref<392x128xf32, #tpu.memory_space<vmem>> -> memref<392x128xf32, #tpu.memory_space<vmem>>
    %dma_wait3A_208 = arith.constant 1960 : i32
    %dma_wait3A_209 = tpu.memref_slice %arg5[%dma_wait3A_208] : memref<3136xi32, #tpu.memory_space<vmem>> -> memref<392xi32, #tpu.memory_space<vmem>>
    %dma_wait3A_210 = arith.constant 0 : i32
    %dma_wait3A_211 = arith.constant 0 : i32
    %dma_wait3A_212 = tpu.memref_slice %arg8[%dma_wait3A_210, %dma_wait3A_211] : memref<118x128xf32, #tpu.memory_space<vmem_shared>> -> memref<118x128xf32, #tpu.memory_space<vmem_shared>>
    tpu.wait_indirect_dma semaphore(%arg11 : memref<!tpu.dma_semaphore, #tpu.memory_space<semaphore_mem>>) src(%dma_wait3A_212 : memref<118x128xf32, #tpu.memory_space<vmem_shared>>) dst(%dma_wait3A_207 : memref<392x128xf32, #tpu.memory_space<vmem>>)
    %add3A_213 = arith.constant 1960 : i32
    %add3A_214 = arith.addi %mul3A_2, %add3A_213 : i32
    %dma_start3A_215 = arith.constant 0 : i32
    %dma_start3A_216 = arith.constant 0 : i32
    %dma_start3A_217 = tpu.memref_slice %arg7[%dma_start3A_215, %dma_start3A_216] : memref<392x128xf32, #tpu.memory_space<vmem>> -> memref<392x128xf32, #tpu.memory_space<vmem>>
    %dma_start3A_218 = arith.constant 0 : i32
    %dma_start3A_219 = tpu.memref_slice %arg4[%add3A_214, %dma_start3A_218] : memref<100000x128xf32, #tpu.memory_space<hbm>> -> memref<392x128xf32, #tpu.memory_space<hbm>>
    %dma_start3A_220 = arith.constant 0 : i32
    %dma_start3A_221 = tpu.memref_slice %arg4[%add3A_214, %dma_start3A_220] : memref<100000x128xf32, #tpu.memory_space<hbm>> -> memref<392x128xf32, #tpu.memory_space<hbm>>
    %dma_start3A_222 = arith.constant 0 : i32
    %dma_start3A_223 = arith.constant 0 : i32
    %dma_start3A_224 = tpu.memref_slice %arg7[%dma_start3A_222, %dma_start3A_223] : memref<392x128xf32, #tpu.memory_space<vmem>> -> memref<392x128xf32, #tpu.memory_space<vmem>>
    tpu.enqueue_dma source(%dma_start3A_224 : memref<392x128xf32, #tpu.memory_space<vmem>>) target(%dma_start3A_221 : memref<392x128xf32, #tpu.memory_space<hbm>>) target_semaphore(%arg13 : memref<!tpu.dma_semaphore, #tpu.memory_space<semaphore_mem>>)
    %dma_wait3A_225 = arith.constant 0 : i32
    %dma_wait3A_226 = arith.constant 0 : i32
    %dma_wait3A_227 = tpu.memref_slice %arg6[%dma_wait3A_225, %dma_wait3A_226] : memref<392x128xf32, #tpu.memory_space<vmem>> -> memref<392x128xf32, #tpu.memory_space<vmem>>
    %dma_wait3A_228 = arith.constant 0 : i32
    %dma_wait3A_229 = tpu.memref_slice %arg4[%add3A_176, %dma_wait3A_228] : memref<100000x128xf32, #tpu.memory_space<hbm>> -> memref<392x128xf32, #tpu.memory_space<hbm>>
    %dma_wait3A_230 = arith.constant 0 : i32
    %dma_wait3A_231 = tpu.memref_slice %arg4[%add3A_176, %dma_wait3A_230] : memref<100000x128xf32, #tpu.memory_space<hbm>> -> memref<392x128xf32, #tpu.memory_space<hbm>>
    %dma_wait3A_232 = arith.constant 0 : i32
    %dma_wait3A_233 = arith.constant 0 : i32
    %dma_wait3A_234 = tpu.memref_slice %arg6[%dma_wait3A_232, %dma_wait3A_233] : memref<392x128xf32, #tpu.memory_space<vmem>> -> memref<392x128xf32, #tpu.memory_space<vmem>>
    tpu.wait_dma2 semaphore(%arg12 : memref<!tpu.dma_semaphore, #tpu.memory_space<semaphore_mem>>) src(%dma_wait3A_234 : memref<392x128xf32, #tpu.memory_space<vmem>>) dst(%dma_wait3A_231 : memref<392x128xf32, #tpu.memory_space<hbm>>)
    %dma_start3A_235 = arith.constant 0 : i32
    %dma_start3A_236 = arith.constant 0 : i32
    %dma_start3A_237 = tpu.memref_slice %arg6[%dma_start3A_235, %dma_start3A_236] : memref<392x128xf32, #tpu.memory_space<vmem>> -> memref<392x128xf32, #tpu.memory_space<vmem>>
    %dma_start3A_238 = arith.constant 2352 : i32
    %dma_start3A_239 = tpu.memref_slice %arg5[%dma_start3A_238] : memref<3136xi32, #tpu.memory_space<vmem>> -> memref<392xi32, #tpu.memory_space<vmem>>
    %dma_start3A_240 = arith.constant 0 : i32
    %dma_start3A_241 = arith.constant 0 : i32
    %dma_start3A_242 = tpu.memref_slice %arg8[%dma_start3A_240, %dma_start3A_241] : memref<118x128xf32, #tpu.memory_space<vmem_shared>> -> memref<118x128xf32, #tpu.memory_space<vmem_shared>>
    tpu.enqueue_indirect_dma source(%dma_start3A_242 : memref<118x128xf32, #tpu.memory_space<vmem_shared>>) target(%dma_start3A_237 : memref<392x128xf32, #tpu.memory_space<vmem>>) offsets(%dma_start3A_239 : memref<392xi32, #tpu.memory_space<vmem>>) semaphore(%arg10 : memref<!tpu.dma_semaphore, #tpu.memory_space<semaphore_mem>>)
    %dma_wait3A_243 = arith.constant 0 : i32
    %dma_wait3A_244 = arith.constant 0 : i32
    %dma_wait3A_245 = tpu.memref_slice %arg6[%dma_wait3A_243, %dma_wait3A_244] : memref<392x128xf32, #tpu.memory_space<vmem>> -> memref<392x128xf32, #tpu.memory_space<vmem>>
    %dma_wait3A_246 = arith.constant 2352 : i32
    %dma_wait3A_247 = tpu.memref_slice %arg5[%dma_wait3A_246] : memref<3136xi32, #tpu.memory_space<vmem>> -> memref<392xi32, #tpu.memory_space<vmem>>
    %dma_wait3A_248 = arith.constant 0 : i32
    %dma_wait3A_249 = arith.constant 0 : i32
    %dma_wait3A_250 = tpu.memref_slice %arg8[%dma_wait3A_248, %dma_wait3A_249] : memref<118x128xf32, #tpu.memory_space<vmem_shared>> -> memref<118x128xf32, #tpu.memory_space<vmem_shared>>
    tpu.wait_indirect_dma semaphore(%arg10 : memref<!tpu.dma_semaphore, #tpu.memory_space<semaphore_mem>>) src(%dma_wait3A_250 : memref<118x128xf32, #tpu.memory_space<vmem_shared>>) dst(%dma_wait3A_245 : memref<392x128xf32, #tpu.memory_space<vmem>>)
    %add3A_251 = arith.constant 2352 : i32
    %add3A_252 = arith.addi %mul3A_2, %add3A_251 : i32
    %dma_start3A_253 = arith.constant 0 : i32
    %dma_start3A_254 = arith.constant 0 : i32
    %dma_start3A_255 = tpu.memref_slice %arg6[%dma_start3A_253, %dma_start3A_254] : memref<392x128xf32, #tpu.memory_space<vmem>> -> memref<392x128xf32, #tpu.memory_space<vmem>>
    %dma_start3A_256 = arith.constant 0 : i32
    %dma_start3A_257 = tpu.memref_slice %arg4[%add3A_252, %dma_start3A_256] : memref<100000x128xf32, #tpu.memory_space<hbm>> -> memref<392x128xf32, #tpu.memory_space<hbm>>
    %dma_start3A_258 = arith.constant 0 : i32
    %dma_start3A_259 = tpu.memref_slice %arg4[%add3A_252, %dma_start3A_258] : memref<100000x128xf32, #tpu.memory_space<hbm>> -> memref<392x128xf32, #tpu.memory_space<hbm>>
    %dma_start3A_260 = arith.constant 0 : i32
    %dma_start3A_261 = arith.constant 0 : i32
    %dma_start3A_262 = tpu.memref_slice %arg6[%dma_start3A_260, %dma_start3A_261] : memref<392x128xf32, #tpu.memory_space<vmem>> -> memref<392x128xf32, #tpu.memory_space<vmem>>
    tpu.enqueue_dma source(%dma_start3A_262 : memref<392x128xf32, #tpu.memory_space<vmem>>) target(%dma_start3A_259 : memref<392x128xf32, #tpu.memory_space<hbm>>) target_semaphore(%arg12 : memref<!tpu.dma_semaphore, #tpu.memory_space<semaphore_mem>>)
    %dma_wait3A_263 = arith.constant 0 : i32
    %dma_wait3A_264 = arith.constant 0 : i32
    %dma_wait3A_265 = tpu.memref_slice %arg7[%dma_wait3A_263, %dma_wait3A_264] : memref<392x128xf32, #tpu.memory_space<vmem>> -> memref<392x128xf32, #tpu.memory_space<vmem>>
    %dma_wait3A_266 = arith.constant 0 : i32
    %dma_wait3A_267 = tpu.memref_slice %arg4[%add3A_214, %dma_wait3A_266] : memref<100000x128xf32, #tpu.memory_space<hbm>> -> memref<392x128xf32, #tpu.memory_space<hbm>>
    %dma_wait3A_268 = arith.constant 0 : i32
    %dma_wait3A_269 = tpu.memref_slice %arg4[%add3A_214, %dma_wait3A_268] : memref<100000x128xf32, #tpu.memory_space<hbm>> -> memref<392x128xf32, #tpu.memory_space<hbm>>
    %dma_wait3A_270 = arith.constant 0 : i32
    %dma_wait3A_271 = arith.constant 0 : i32
    %dma_wait3A_272 = tpu.memref_slice %arg7[%dma_wait3A_270, %dma_wait3A_271] : memref<392x128xf32, #tpu.memory_space<vmem>> -> memref<392x128xf32, #tpu.memory_space<vmem>>
    tpu.wait_dma2 semaphore(%arg13 : memref<!tpu.dma_semaphore, #tpu.memory_space<semaphore_mem>>) src(%dma_wait3A_272 : memref<392x128xf32, #tpu.memory_space<vmem>>) dst(%dma_wait3A_269 : memref<392x128xf32, #tpu.memory_space<hbm>>)
    %lt3A_273 = arith.constant 31 : i32
    %lt3A_274 = arith.cmpi slt, %add3A, %lt3A_273 : i32
    %convert_element_type3A_275 = arith.extui %lt3A_274 : i1 to i32
    %cond3A_276 = arith.constant 0 : i32
    %cond3A_277 = arith.cmpi ne, %convert_element_type3A_275, %cond3A_276 : i32
    scf.if %cond3A_277 {
      %dma_start3A_293 = arith.constant 0 : i32
      %dma_start3A_294 = arith.constant 0 : i32
      %dma_start3A_295 = tpu.memref_slice %arg7[%dma_start3A_293, %dma_start3A_294] : memref<392x128xf32, #tpu.memory_space<vmem>> -> memref<392x128xf32, #tpu.memory_space<vmem>>
      %dma_start3A_296 = arith.constant 2744 : i32
      %dma_start3A_297 = tpu.memref_slice %arg5[%dma_start3A_296] : memref<3136xi32, #tpu.memory_space<vmem>> -> memref<392xi32, #tpu.memory_space<vmem>>
      %dma_start3A_298 = arith.constant 0 : i32
      %dma_start3A_299 = arith.constant 0 : i32
      %dma_start3A_300 = tpu.memref_slice %arg8[%dma_start3A_298, %dma_start3A_299] : memref<118x128xf32, #tpu.memory_space<vmem_shared>> -> memref<118x128xf32, #tpu.memory_space<vmem_shared>>
      tpu.enqueue_indirect_dma source(%dma_start3A_300 : memref<118x128xf32, #tpu.memory_space<vmem_shared>>) target(%dma_start3A_295 : memref<392x128xf32, #tpu.memory_space<vmem>>) offsets(%dma_start3A_297 : memref<392xi32, #tpu.memory_space<vmem>>) semaphore(%arg11 : memref<!tpu.dma_semaphore, #tpu.memory_space<semaphore_mem>>)
      %dma_wait3A_301 = arith.constant 0 : i32
      %dma_wait3A_302 = arith.constant 0 : i32
      %dma_wait3A_303 = tpu.memref_slice %arg7[%dma_wait3A_301, %dma_wait3A_302] : memref<392x128xf32, #tpu.memory_space<vmem>> -> memref<392x128xf32, #tpu.memory_space<vmem>>
      %dma_wait3A_304 = arith.constant 2744 : i32
      %dma_wait3A_305 = tpu.memref_slice %arg5[%dma_wait3A_304] : memref<3136xi32, #tpu.memory_space<vmem>> -> memref<392xi32, #tpu.memory_space<vmem>>
      %dma_wait3A_306 = arith.constant 0 : i32
      %dma_wait3A_307 = arith.constant 0 : i32
      %dma_wait3A_308 = tpu.memref_slice %arg8[%dma_wait3A_306, %dma_wait3A_307] : memref<118x128xf32, #tpu.memory_space<vmem_shared>> -> memref<118x128xf32, #tpu.memory_space<vmem_shared>>
      tpu.wait_indirect_dma semaphore(%arg11 : memref<!tpu.dma_semaphore, #tpu.memory_space<semaphore_mem>>) src(%dma_wait3A_308 : memref<118x128xf32, #tpu.memory_space<vmem_shared>>) dst(%dma_wait3A_303 : memref<392x128xf32, #tpu.memory_space<vmem>>)
      %add3A_309 = arith.constant 2744 : i32
      %add3A_310 = arith.addi %mul3A_2, %add3A_309 : i32
      %dma_start3A_311 = arith.constant 0 : i32
      %dma_start3A_312 = arith.constant 0 : i32
      %dma_start3A_313 = tpu.memref_slice %arg7[%dma_start3A_311, %dma_start3A_312] : memref<392x128xf32, #tpu.memory_space<vmem>> -> memref<392x128xf32, #tpu.memory_space<vmem>>
      %dma_start3A_314 = arith.constant 0 : i32
      %dma_start3A_315 = tpu.memref_slice %arg4[%add3A_310, %dma_start3A_314] : memref<100000x128xf32, #tpu.memory_space<hbm>> -> memref<392x128xf32, #tpu.memory_space<hbm>>
      %dma_start3A_316 = arith.constant 0 : i32
      %dma_start3A_317 = tpu.memref_slice %arg4[%add3A_310, %dma_start3A_316] : memref<100000x128xf32, #tpu.memory_space<hbm>> -> memref<392x128xf32, #tpu.memory_space<hbm>>
      %dma_start3A_318 = arith.constant 0 : i32
      %dma_start3A_319 = arith.constant 0 : i32
      %dma_start3A_320 = tpu.memref_slice %arg7[%dma_start3A_318, %dma_start3A_319] : memref<392x128xf32, #tpu.memory_space<vmem>> -> memref<392x128xf32, #tpu.memory_space<vmem>>
      tpu.enqueue_dma source(%dma_start3A_320 : memref<392x128xf32, #tpu.memory_space<vmem>>) target(%dma_start3A_317 : memref<392x128xf32, #tpu.memory_space<hbm>>) target_semaphore(%arg13 : memref<!tpu.dma_semaphore, #tpu.memory_space<semaphore_mem>>)
      %dma_wait3A_321 = arith.constant 0 : i32
      %dma_wait3A_322 = arith.constant 0 : i32
      %dma_wait3A_323 = tpu.memref_slice %arg7[%dma_wait3A_321, %dma_wait3A_322] : memref<392x128xf32, #tpu.memory_space<vmem>> -> memref<392x128xf32, #tpu.memory_space<vmem>>
      %dma_wait3A_324 = arith.constant 0 : i32
      %dma_wait3A_325 = tpu.memref_slice %arg4[%add3A_310, %dma_wait3A_324] : memref<100000x128xf32, #tpu.memory_space<hbm>> -> memref<392x128xf32, #tpu.memory_space<hbm>>
      %dma_wait3A_326 = arith.constant 0 : i32
      %dma_wait3A_327 = tpu.memref_slice %arg4[%add3A_310, %dma_wait3A_326] : memref<100000x128xf32, #tpu.memory_space<hbm>> -> memref<392x128xf32, #tpu.memory_space<hbm>>
      %dma_wait3A_328 = arith.constant 0 : i32
      %dma_wait3A_329 = arith.constant 0 : i32
      %dma_wait3A_330 = tpu.memref_slice %arg7[%dma_wait3A_328, %dma_wait3A_329] : memref<392x128xf32, #tpu.memory_space<vmem>> -> memref<392x128xf32, #tpu.memory_space<vmem>>
      tpu.wait_dma2 semaphore(%arg13 : memref<!tpu.dma_semaphore, #tpu.memory_space<semaphore_mem>>) src(%dma_wait3A_330 : memref<392x128xf32, #tpu.memory_space<vmem>>) dst(%dma_wait3A_327 : memref<392x128xf32, #tpu.memory_space<hbm>>)
    } else {
    }
    %eq3A_278 = arith.constant 31 : i32
    %eq3A_279 = arith.cmpi eq, %add3A, %eq3A_278 : i32
    %convert_element_type3A_280 = arith.extui %eq3A_279 : i1 to i32
    %cond3A_281 = arith.constant 0 : i32
    %cond3A_282 = arith.cmpi ne, %convert_element_type3A_280, %cond3A_281 : i32
    scf.if %cond3A_282 {
      %dma_start3A_293 = arith.constant 0 : i32
      %dma_start3A_294 = arith.constant 0 : i32
      %dma_start3A_295 = tpu.memref_slice %arg7[%dma_start3A_293, %dma_start3A_294] : memref<392x128xf32, #tpu.memory_space<vmem>> -> memref<40x128xf32, #tpu.memory_space<vmem>>
      %dma_start3A_296 = arith.constant 2744 : i32
      %dma_start3A_297 = tpu.memref_slice %arg5[%dma_start3A_296] : memref<3136xi32, #tpu.memory_space<vmem>> -> memref<40xi32, #tpu.memory_space<vmem>>
      %dma_start3A_298 = arith.constant 0 : i32
      %dma_start3A_299 = arith.constant 0 : i32
      %dma_start3A_300 = tpu.memref_slice %arg8[%dma_start3A_298, %dma_start3A_299] : memref<118x128xf32, #tpu.memory_space<vmem_shared>> -> memref<118x128xf32, #tpu.memory_space<vmem_shared>>
      tpu.enqueue_indirect_dma source(%dma_start3A_300 : memref<118x128xf32, #tpu.memory_space<vmem_shared>>) target(%dma_start3A_295 : memref<40x128xf32, #tpu.memory_space<vmem>>) offsets(%dma_start3A_297 : memref<40xi32, #tpu.memory_space<vmem>>) semaphore(%arg11 : memref<!tpu.dma_semaphore, #tpu.memory_space<semaphore_mem>>)
      %dma_wait3A_301 = arith.constant 0 : i32
      %dma_wait3A_302 = arith.constant 0 : i32
      %dma_wait3A_303 = tpu.memref_slice %arg7[%dma_wait3A_301, %dma_wait3A_302] : memref<392x128xf32, #tpu.memory_space<vmem>> -> memref<40x128xf32, #tpu.memory_space<vmem>>
      %dma_wait3A_304 = arith.constant 2744 : i32
      %dma_wait3A_305 = tpu.memref_slice %arg5[%dma_wait3A_304] : memref<3136xi32, #tpu.memory_space<vmem>> -> memref<40xi32, #tpu.memory_space<vmem>>
      %dma_wait3A_306 = arith.constant 0 : i32
      %dma_wait3A_307 = arith.constant 0 : i32
      %dma_wait3A_308 = tpu.memref_slice %arg8[%dma_wait3A_306, %dma_wait3A_307] : memref<118x128xf32, #tpu.memory_space<vmem_shared>> -> memref<118x128xf32, #tpu.memory_space<vmem_shared>>
      tpu.wait_indirect_dma semaphore(%arg11 : memref<!tpu.dma_semaphore, #tpu.memory_space<semaphore_mem>>) src(%dma_wait3A_308 : memref<118x128xf32, #tpu.memory_space<vmem_shared>>) dst(%dma_wait3A_303 : memref<40x128xf32, #tpu.memory_space<vmem>>)
      %add3A_309 = arith.constant 2744 : i32
      %add3A_310 = arith.addi %mul3A_2, %add3A_309 : i32
      %dma_start3A_311 = arith.constant 0 : i32
      %dma_start3A_312 = arith.constant 0 : i32
      %dma_start3A_313 = tpu.memref_slice %arg7[%dma_start3A_311, %dma_start3A_312] : memref<392x128xf32, #tpu.memory_space<vmem>> -> memref<40x128xf32, #tpu.memory_space<vmem>>
      %dma_start3A_314 = arith.constant 0 : i32
      %dma_start3A_315 = tpu.memref_slice %arg4[%add3A_310, %dma_start3A_314] : memref<100000x128xf32, #tpu.memory_space<hbm>> -> memref<40x128xf32, #tpu.memory_space<hbm>>
      %dma_start3A_316 = arith.constant 0 : i32
      %dma_start3A_317 = tpu.memref_slice %arg4[%add3A_310, %dma_start3A_316] : memref<100000x128xf32, #tpu.memory_space<hbm>> -> memref<40x128xf32, #tpu.memory_space<hbm>>
      %dma_start3A_318 = arith.constant 0 : i32
      %dma_start3A_319 = arith.constant 0 : i32
      %dma_start3A_320 = tpu.memref_slice %arg7[%dma_start3A_318, %dma_start3A_319] : memref<392x128xf32, #tpu.memory_space<vmem>> -> memref<40x128xf32, #tpu.memory_space<vmem>>
      tpu.enqueue_dma source(%dma_start3A_320 : memref<40x128xf32, #tpu.memory_space<vmem>>) target(%dma_start3A_317 : memref<40x128xf32, #tpu.memory_space<hbm>>) target_semaphore(%arg13 : memref<!tpu.dma_semaphore, #tpu.memory_space<semaphore_mem>>)
      %dma_wait3A_321 = arith.constant 0 : i32
      %dma_wait3A_322 = arith.constant 0 : i32
      %dma_wait3A_323 = tpu.memref_slice %arg7[%dma_wait3A_321, %dma_wait3A_322] : memref<392x128xf32, #tpu.memory_space<vmem>> -> memref<40x128xf32, #tpu.memory_space<vmem>>
      %dma_wait3A_324 = arith.constant 0 : i32
      %dma_wait3A_325 = tpu.memref_slice %arg4[%add3A_310, %dma_wait3A_324] : memref<100000x128xf32, #tpu.memory_space<hbm>> -> memref<40x128xf32, #tpu.memory_space<hbm>>
      %dma_wait3A_326 = arith.constant 0 : i32
      %dma_wait3A_327 = tpu.memref_slice %arg4[%add3A_310, %dma_wait3A_326] : memref<100000x128xf32, #tpu.memory_space<hbm>> -> memref<40x128xf32, #tpu.memory_space<hbm>>
      %dma_wait3A_328 = arith.constant 0 : i32
      %dma_wait3A_329 = arith.constant 0 : i32
      %dma_wait3A_330 = tpu.memref_slice %arg7[%dma_wait3A_328, %dma_wait3A_329] : memref<392x128xf32, #tpu.memory_space<vmem>> -> memref<40x128xf32, #tpu.memory_space<vmem>>
      tpu.wait_dma2 semaphore(%arg13 : memref<!tpu.dma_semaphore, #tpu.memory_space<semaphore_mem>>) src(%dma_wait3A_330 : memref<40x128xf32, #tpu.memory_space<vmem>>) dst(%dma_wait3A_327 : memref<40x128xf32, #tpu.memory_space<hbm>>)
    } else {
    }
    %dma_wait3A_283 = arith.constant 0 : i32
    %dma_wait3A_284 = arith.constant 0 : i32
    %dma_wait3A_285 = tpu.memref_slice %arg6[%dma_wait3A_283, %dma_wait3A_284] : memref<392x128xf32, #tpu.memory_space<vmem>> -> memref<392x128xf32, #tpu.memory_space<vmem>>
    %dma_wait3A_286 = arith.constant 0 : i32
    %dma_wait3A_287 = tpu.memref_slice %arg4[%add3A_252, %dma_wait3A_286] : memref<100000x128xf32, #tpu.memory_space<hbm>> -> memref<392x128xf32, #tpu.memory_space<hbm>>
    %dma_wait3A_288 = arith.constant 0 : i32
    %dma_wait3A_289 = tpu.memref_slice %arg4[%add3A_252, %dma_wait3A_288] : memref<100000x128xf32, #tpu.memory_space<hbm>> -> memref<392x128xf32, #tpu.memory_space<hbm>>
    %dma_wait3A_290 = arith.constant 0 : i32
    %dma_wait3A_291 = arith.constant 0 : i32
    %dma_wait3A_292 = tpu.memref_slice %arg6[%dma_wait3A_290, %dma_wait3A_291] : memref<392x128xf32, #tpu.memory_space<vmem>> -> memref<392x128xf32, #tpu.memory_space<vmem>>
    tpu.wait_dma2 semaphore(%arg12 : memref<!tpu.dma_semaphore, #tpu.memory_space<semaphore_mem>>) src(%dma_wait3A_292 : memref<392x128xf32, #tpu.memory_space<vmem>>) dst(%dma_wait3A_289 : memref<392x128xf32, #tpu.memory_space<hbm>>)
    return
  }
}

</mosaic_0001>

<sc_bundles>
// kernel: kernel.3.cloned.1.call-start
scs
__scs_entry_jumppad:
0x0: {  	(pc) =	sbr.rel $0x88, $3  }
0x1: {  	(tag) =	ssettag $0x0;
	lr =	simm.s32 $0x1  }
0x2: {  	[smem:$0x3F9F] =	sst lr;
	_ =	strace $0xD0000000  }
0x3: {  	_ = 	snop  }
0x4: {  	_ = 	snop  }
0x5: {  	_ = 	snop  }
0x6: {  	_ = 	snop  }
0x7: {  	_ = 	snop  }
__scs_overlays_trampoline_lowered:
0x8: {  	[smem:$0x3FAE] =	sst s0  }
0x9: {  	[smem:$0x3FAF] =	sst s1  }
0xa: {  	[smem:$0x3FB0] =	sst s2  }
0xb: {  	[smem:$0x3FB1] =	sst s3  }
0xc: {  	[smem:$0x3FB2] =	sst s4  }
0xd: {  	[smem:$0x3FB3] =	sst s5  }
0xe: {  	[smem:$0x3FB4] =	sst s6  }
0xf: {  	[smem:$0x3FB5] =	sst s7  }
0x10: {  	[smem:$0x3FB6] =	sst s8  }
0x11: {  	[smem:$0x3FB7] =	sst s9;
	s0 =	simm.s32 @!p0 $0x0  }
0x12: {  	s1 =	sld [smem:$0x3F9D];
	s0 =	simm.s32 @p0 $0x1  }
0x13: {  	[smem:$0x3FB8] =	sst s0;
	s0 =	simm.s32 @!p1 $0x0  }
0x14: {  	s2 =	sld [smem:$0x3F9C];
	s0 =	simm.s32 @p1 $0x1  }
0x15: {  	[smem:$0x3FB9] =	sst s0;
	s0 =	simm.s32 @!p2 $0x0  }
0x16: {  	s3 =	sld [smem:$0x3FDB];
	s0 =	simm.s32 @p2 $0x1  }
0x17: {  	s4 =	simm.s32 $0x1BF5;
	[smem:$0x3FBB] =	sst s0  }
0x18: {  	s0 =	sld [smem:$0x3F9E];
	_ =	swait.ge [sflag:s4], $0x0  }
0x19: {  	s7 =	sld [smem:$0x3F9F]  }
0x1a: {  	s8 =	sadd.s32 $0xFFFFE003, lr  }
0x1b: {  	s9 =	sadd.s32 $0xFFFFFEF7, lr;
	s5 =	simm.s32 $0xFFFFFFFF;
	p2 =	slt.u32 s8, $0xFFFFF086  }
0x1c: {  	p1 =	slt.u32 s9, $0xF7A;
	s5 =	simm.s32 @!p2 $0x0  }
0x1d: {  	s5 =	simm.s32 @p1 $0x1;
	p0 =	seq.s32 s7, s2  }
0x1e: {  	s7 =	smul.u32 @!p0 $0xF7A, s2;
	p2 =	seq.s32 @!p0 s5, $0x0  }
0x1f: {  	s9 =	smul.u32 $0xF7A, s1;
	s8 =	simm.s32 @!p0 $0x1BF5;
	p2 =	por !p2, p0  }
0x20: {  	[sflag:s8] =	ssyncset.s32 @!p0 $0xFFFFF086;
	s6 =	sadd.s32 @!p0 s3, s7;
	s7 =	simm.s32 @!p0 $0x108  }
0x21: {  	s3 =	sadd.s32 s3, s9;
	s6 =	sadd.s32 @!p0 $0x88, s6;
	s7 =	simm.s32 @p2 $0x1082  }
0x22: {  	[simem:s7], [sflag:s8] =	dma.local @!p0 [hbm:s6], $0xF7A  }
0x23: {  	s9 =	sor.u32 $0xD0000000, s2;
	s6 =	simm.s32 $0x108;
	_ =	swait.ge @!p0 [sflag:s8], $0x0  }
0x24: {  	s3 =	sadd.s32 $0x88, s3;
	s6 =	simm.s32 @!p1 $0x1082;
	[sflag:s4] =	ssyncset.s32 $0xFFFFF086  }
0x25: {  	[simem:s6], [sflag:s4] =	dma.local [hbm:s3], $0xF7A  }
0x26: {  	[smem:$0x3F9F] =	sst s1;
	(tag) =	ssettag s2;
	_ =	strace s9  }
0x27: {  	s1 =	sld [smem:$0x3FAF]  }
0x28: {  	s2 =	sld [smem:$0x3FB0]  }
0x29: {  	s4 =	sld [smem:$0x3FB2]  }
0x2a: {  	p0 =	seq.s32 s5, $0x0;
	s5 =	sld [smem:$0x3FB3]  }
0x2b: {  	s6 =	sld [smem:$0x3FB4]  }
0x2c: {  	s7 =	sld [smem:$0x3FB5]  }
0x2d: {  	s3 =	simm.s32 $0x108;
	s8 =	sld [smem:$0x3FB6]  }
0x2e: {  	s3 =	simm.s32 @!p0 $0x1082;
	s9 =	sld [smem:$0x3FB7]  }
0x2f: {  	lr =	sadd.s32 s0, s3;
	s0 =	sld [smem:$0x3FAE]  }
0x30: {  	s3 =	sld [smem:$0x3FB1]  }
0x31: {  	[smem:$0x3FBA] =	sst s10  }
0x32: {  	s10 =	sld [smem:$0x3FB8];
	_ =	sdelay $0x3  }
0x33: {  	p0 =	seq.s32 s10, $0x1;
	s10 =	sld [smem:$0x3FBA];
	_ =	sdelay $0x3  }
0x34: {  	[smem:$0x3FBA] =	sst s10  }
0x35: {  	s10 =	sld [smem:$0x3FB9];
	_ =	sdelay $0x3  }
0x36: {  	p1 =	seq.s32 s10, $0x1;
	s10 =	sld [smem:$0x3FBA];
	_ =	sdelay $0x3  }
0x37: {  	[smem:$0x3FBA] =	sst s10  }
0x38: {  	s10 =	sld [smem:$0x3FBB]  }
0x39: {  	_ = 	snop;
	(pc) =	sbr.ind lr, $3  }
0x3a: {  	_ = 	snop  }
0x3b: {  	_ = 	snop  }
0x3c: {  	p2 =	seq.s32 s10, $0x1;
	s10 =	sld [smem:$0x3FBA]  }
0x3d: {  	_ =	shalt  }
0x3e: {  	_ =	shalt  }
0x3f: {  	_ =	shalt  }
0x40: {  	_ =	shalt  }
0x41: {  	_ =	shalt  }
0x42: {  	_ =	shalt  }
0x43: {  	_ =	shalt  }
0x44: {  	_ =	shalt  }
0x45: {  	_ =	shalt  }
0x46: {  	_ =	shalt  }
0x47: {  	_ =	shalt  }
0x48: {  	_ =	shalt  }
0x49: {  	_ =	shalt  }
0x4a: {  	_ =	shalt  }
0x4b: {  	_ =	shalt  }
0x4c: {  	_ =	shalt  }
0x4d: {  	_ =	shalt  }
0x4e: {  	_ =	shalt  }
0x4f: {  	_ =	shalt  }
0x50: {  	_ =	shalt  }
0x51: {  	_ =	shalt  }
0x52: {  	_ =	shalt  }
0x53: {  	_ =	shalt  }
0x54: {  	_ =	shalt  }
0x55: {  	_ =	shalt  }
0x56: {  	_ =	shalt  }
0x57: {  	_ =	shalt  }
0x58: {  	_ =	shalt  }
0x59: {  	_ =	shalt  }
0x5a: {  	_ =	shalt  }
0x5b: {  	_ =	shalt  }
0x5c: {  	_ =	shalt  }
0x5d: {  	_ =	shalt  }
0x5e: {  	_ =	shalt  }
0x5f: {  	_ =	shalt  }
0x60: {  	_ =	shalt  }
0x61: {  	_ =	shalt  }
0x62: {  	_ =	shalt  }
0x63: {  	_ =	shalt  }
0x64: {  	_ =	shalt  }
0x65: {  	_ =	shalt  }
0x66: {  	_ =	shalt  }
0x67: {  	_ =	shalt  }
0x68: {  	_ =	shalt  }
0x69: {  	_ =	shalt  }
0x6a: {  	_ =	shalt  }
0x6b: {  	_ =	shalt  }
0x6c: {  	_ =	shalt  }
0x6d: {  	_ =	shalt  }
0x6e: {  	_ =	shalt  }
0x6f: {  	_ =	shalt  }
0x70: {  	_ =	shalt  }
0x71: {  	_ =	shalt  }
0x72: {  	_ =	shalt  }
0x73: {  	_ =	shalt  }
0x74: {  	_ =	shalt  }
0x75: {  	_ =	shalt  }
0x76: {  	_ =	shalt  }
0x77: {  	_ =	shalt  }
0x78: {  	_ =	shalt  }
0x79: {  	_ =	shalt  }
0x7a: {  	_ =	shalt  }
0x7b: {  	_ =	shalt  }
0x7c: {  	_ =	shalt  }
0x7d: {  	_ =	shalt  }
0x7e: {  	_ =	shalt  }
0x7f: {  	_ =	shalt  }
0x80: {  	_ =	shalt  }
0x81: {  	_ =	shalt  }
0x82: {  	_ =	shalt  }
0x83: {  	_ =	shalt  }
0x84: {  	_ =	shalt  }
0x85: {  	_ =	shalt  }
0x86: {  	_ =	shalt  }
0x87: {  	_ =	shalt  }
.Lfunc_end0:
.L_simem_size_0:
called_computation_lowered:
.L_overlay_start_0:
0x88: {  	s2 =	sld [smem:$0x3FD9]  }
0x89: {  	s3 =	sld [smem:$0x3FFE];
	_ =	sdelay $0x1  }
0x8a: {  	s1 =	srdreg.scid  }
0x8b: {  	s0 =	sand.u32 $0x1, s1  }
0x8c: {  	s18 =	sshll.u32 s0, $0xA;
	s2 =	sadd.s32 s3, s2  }
0x8d: {  	s2 =	sadd.s32 s2, s18  }
0x8e: {  	[smem:$0x3FC6] =	sst s2  }
0x8f: {  	_ = 	snop  }
0x90: {  	s2 =	sld [smem:$0x3FC9]  }
0x91: {  	s19 =	sld [smem:$0x3FC8]  }
0x92: {  	s4 =	sld [smem:$0x3FD0];
	(tm) =	ssettm $0x1  }
0x93: {  	s5 =	sld [smem:$0x3FFB];
	_ =	sdelay $0x3  }
0x94: {  	_ =	strace s5  }
0x95: {  	s5 =	sld [smem:$0x3FFC];
	_ =	sdelay $0x3  }
0x96: {  	_ =	strace s5  }
0x97: {  	s5 =	sld [smem:$0x3FFD];
	_ =	sdelay $0x3  }
0x98: {  	_ =	strace s5  }
0x99: {  	_ =	strace $0x8FFFFFFF  }
0x9a: {  	s20 =	sld [smem:$0x3FDB];
	_ =	sdelay $0x1  }
0x9b: {  	s6 =	simm.s32 $_scs_section_size  }
0x9c: {  	s7 =	simm.s32 $_size__tile_overlayer_lowered;
	s8 =	simm.s32 $_tile_overlayer_lowered  }
0x9d: {  	s23 =	simm.s32 $0x1BFF;
	s22 =	sshll.u32 s8, $0x1;
	s5 =	sadd.s32 s6, s20  }
0x9e: {  	s9 =	simm.s32 $0x0;
	s21 =	sshll.u32 s7, $0x1;
	s7 =	sadd.s32 s22, s5  }
0x9f: {  	[timem:s9], [sflag:s23] =	dma.local [hbm:s7], s21  }
0xa0: {  	_ =	swait.ge [sflag:s23], s21  }
0xa1: {  	s6 =	ssub.s32 $0x0, s21;
	[sflag:s23] =	ssyncset.done $0x0  }
0xa2: {  	[sflag:s23] =	ssyncadd.s32 s6;
	_ =	sdelay $0x1  }
0xa3: {  	s24 =	simm.s32 $0x1B8B  }
0xa4: {  	_ =	swait.ge [sflag:s24], $0x1  }
0xa5: {  	[sflag:s24] =	ssyncset.done $0x0  }
0xa6: {  	s25 =	simm.s32 $0x1B8E;
	[sflag:s24] =	ssyncadd.s32 $0xFFFFFFFF  }
0xa7: {  	s26 =	simm.s32 $execute0_lowered;
	[smem:$0x3FD2] =	sst s25  }
0xa8: {  	s6 =	sshll.u32 s26, $0x1;
	_ =	strace $0x80000046;
	[dreg:$0x1] =	wrdreg $0xFFFFFFFF  }
0xa9: {  	s28 =	simm.s32 $_size_execute0_lowered;
	s5 =	sadd.s32 s5, s6;
	[dreg:$0x0] =	wrdreg $0x0  }
0xaa: {  	s6 =	sshll.u32 s28, $0x1;
	[dreg:$0x2] =	wrdreg s5  }
0xab: {  	[dreg:$0x3] =	wrdreg s6  }
0xac: {  	[dreg:$0x4] =	wrdreg $0xC0  }
0xad: {  	_ =	task [dreg:s9], $0x5FFFF  }
0xae: {  	[dreg:$0x1] =	wrdreg $0xFFFFFFFF  }
0xaf: {  	[dreg:$0x0] =	wrdreg $0x60  }
0xb0: {  	[dreg:$0x2] =	wrdreg s19  }
0xb1: {  	[dreg:$0x3] =	wrdreg s2  }
0xb2: {  	[dreg:$0x4] =	wrdreg s4  }
0xb3: {  	[dreg:$0x5] =	wrdreg $0x194800  }
0xb4: {  	[dreg:$0x6] =	wrdreg $0x9  }
0xb5: {  	_ =	task.clear_ibuf [dreg:s9], $0x7FFFF;
	_ =	strace $0x90000046  }
0xb6: {  	s29 =	simm.s32 $0x9;
	_ =	strace $0x80000048  }
0xb7: {  	_ =	swait.ge [sflag:s29], $0x1  }
0xb8: {  	[sflag:s29] =	ssyncadd.s32 $0xFFFFFFFF  }
0xb9: {  	_ =	strace $0x90000048  }
0xba: {  	_ =	sfence  }
0xbb: {  	s30 =	sld [smem:$0x0];
	_ =	sdelay $0x2  }
0xbc: {  	s31 =	sshll.u32 s1, $0xD;
	s1 =	sshrl.u32 s1, $0x2  }
0xbd: {  	s3 =	sand.u32 $0x4000, s31;
	s1 =	sadd.s32 s1, s30  }
0xbe: {  	s0 =	sor.u32 s3, s0;
	s1 =	sshll.u32 s1, $0x11  }
0xbf: {  	s0 =	sor.u32 s1, s0  }
0xc0: {  	s0 =	sadd.s32 $0x8F2B, s0  }
0xc1: {  	[sflag:s0] =	ssyncadd.remote.s32 $0x1  }
0xc2: {  	_ =	sfence.sel $0xFFFF  }
0xc3: {  	[dreg:$0x0] =	wrdreg $0xFFFFFFFF;
	(pc) =	sbr.abs _section_cstart, $3  }
0xc4: {  	[dreg:$0x1] =	wrdreg $0xFFFFFFFF  }
0xc5: {  	_ =	task.clear_ibuf [dreg:s9], $0x2FFFF;
	_ =	strace $0x9FFFFFFF  }
0xc6: {  	(tm) =	ssettm $0x7FFFFFFF  }
0xc7: {  	_ =	shalt  }
tec
execute0_lowered:
.L_overlay_start_1:
0x0: {  	(tag) =	ssettag $0x1  }
0x1: {  	s0 =	rddreg [dreg:$0x0]  }
0x2: {  	s19 =	rddreg [dreg:$0x1]  }
0x3: {  	s1 =	srdreg.scid;
	s4 =	rddreg [dreg:$0x2]  }
0x4: {  	s3 =	stileid.u32;
	s17 =	rddreg [dreg:$0x4];
	s10 =	simm.s32 $0x3  }
0x5: {  	s15 =	simm.s32 $0x7A8;
	s14 =	simm.s32 $0x930;
	p2 =	por $0x0, $0x0  }
0x6: {  	[dreg:$0x5] =	wrdreg s0;
	s5 =	sand.u32 $0x1, s1;
	s2 =	sshll.u32 s3, $0x1  }
0x7: {  	s1 =	rddreg [dreg:$0x3];
	s0 =	sadd.s32 $0x2F78, s19;
	s6 =	sor.u32 s5, s2  }
0x8: {  	p0 =	sne.s32 s3, $0x0;
	s3 =	simm.s32 $0x4;
	s7 =	smul.u32 $0x188, s6  }
0x9: {  	s2 =	simm.s32 $0x0;
	s5 =	ssub.s32 $0x2, s5;
	s8 =	smul.u32 $0x62000, s6  }
0xa: {  	s16 =	sshrl.u32 @!p0 s1, $0x3;
	[smem:$0x7FF] =	sst s2;
	s9 =	smul.u32 $0xC400, s6  }
0xb: {  	s29 =	sshrl.u32 s5, $0x1;
	p1 =	seq.s32 s6, $0x1F;
	s6 =	simm.s32 $0x5  }
0xc: {  	_ =	strace $0x80000047;
	[dreg:$0x7] =	wrdreg s0;
	s5 =	ssub.s32 s5, s29  }
0xd: {  	s7 =	sadd.s32 s19, s7;
	s20 =	sshrl.u32 s8, $0x3;
	s13 =	rddreg [dreg:$0x5]  }
0xe: {  	s21 =	sadd.s32 s4, s9;
	[dreg:$0x6] =	wrdreg s7;
	s7 =	sadd.s32 s4, s20  }
0xf: {  	s31 =	smax.u32 s5, $0x1;
	[dreg:$0x8] =	wrdreg s21;
	s22 =	sadd.s32 $0x1880, s7  }
0x10: {  	s8 =	simm.s32 $0x188;
	s23 =	sadd.s32 $0x3100, s7;
	[dreg:$0x9] =	wrdreg s22  }
0x11: {  	s12 =	sadd.s32 $0xFFFFFFFF, s31;
	s24 =	sadd.s32 $0x4980, s7;
	[dreg:$0xa] =	wrdreg s23  }
0x12: {  	s25 =	sadd.s32 $0x6200, s7;
	p3 =	sne.s32 s12, $0x0;
	[dreg:$0xb] =	wrdreg s24  }
.Ltmp0:
0x13: {  	s26 =	sadd.s32 $0x7A80, s7;
	[dreg:$0xc] =	wrdreg s25;
	(pc) =	sbr.rel @!p3 .LBB2_5-.Ltmp0, $4  }
0x14: {  	s5 =	simm.s32 $0xC80;
	s28 =	sadd.s32 $0x9300, s7;
	[dreg:$0xd] =	wrdreg s26  }
0x15: {  	s9 =	simm.s32 $0xD080;
	s30 =	sadd.s32 $0xAB80, s7;
	[dreg:$0xe] =	wrdreg s28  }
0x16: {  	s4 =	sadd.s32 $0x186780, s4;
	s7 =	simm.s32 $0x2;
	[dreg:$0xf] =	wrdreg s30  }
0x17: {  	s25 =	simm.s32 $0x310;
	s24 =	simm.s32 $0x498;
	s23 =	simm.s32 $0x620  }
0x18: {  	s0 =	simm.s32 @!p0 $0x1C01  }
0x19: {  	[spmem:s16], [sflag:s0] =	dma.local @!p0 [hbm:s13], $0x760  }
0x1a: {  	s18 =	simm.s32 @p1 $0x0;
	s19 =	simm.s32 @p1 $0x6;
	s0 =	rddreg [dreg:$0x7]  }
0x1b: {  	[tilespmem:s18], [sflag:$0x6] =	stream.linear.gather @p1 [hbm4b:s0+s18], $0xAE0, $0x38;
	[tilespmem:$0x19830] =	vst v63  }
0x1c: {  	_ =	swait.ge @p1 [sflag:s19], $0xAE0  }
0x1d: {  	s20 =	simm.s32 @!p1 $0x0;
	[sflag:s19] =	ssyncset.done @p1 $0x0  }
0x1e: {  	s21 =	simm.s32 @!p1 $0x6;
	s0 =	rddreg [dreg:$0x6];
	[sflag:s19] =	ssyncadd.s32 @p1 $0xFFFFF520  }
0x1f: {  	[tilespmem:s20], [sflag:$0x6] =	stream.linear.gather @!p1 [hbm4b:s0+s20], $0xC40, $0x38;
	[tilespmem:$0x19830] =	vst v63  }
0x20: {  	_ =	swait.ge @!p1 [sflag:s21], $0xC40  }
0x21: {  	[sflag:s21] =	ssyncset.done @!p1 $0x0  }
0x22: {  	s22 =	simm.s32 @!p0 $0x1;
	[sflag:s21] =	ssyncadd.s32 @!p1 $0xFFFFF3C0  }
0x23: {  	_ =	swait.ge @!p0 [sflag:s22], $0x760  }
0x24: {  	[sflag:s22] =	ssyncset.done @!p0 $0x0  }
0x25: {  	[sflag:s22] =	ssyncadd.s32 @!p0 $0xFFFFF8A0  }
0x26: {  	[bflag:$0x0] =	sbarrier.arrive $0xFFFF  }
0x27: {  	[tilespmem:s5], [sflag:$0x2] =	stream.indirect.gather [spmem:s1], $0x80, s2, s8, $0xb8;
	[tilespmem:$0x19830] =	vst v63  }
0x28: {  	_ =	swait.ge [sflag:s7], $0xC400  }
0x29: {  	[sflag:s7] =	ssyncset.done $0x0  }
0x2a: {  	s26 =	rddreg [dreg:$0x8];
	[sflag:s7] =	ssyncadd.s32 $0xFFFF3C00  }
0x2b: {  	[hbm4b:s26+s2] =	stream.linear.scatter [tilespmem:s5], [sflag:$0x4], $0xC400, $0x38;
	[tilespmem:$0x19830] =	vst v63  }
0x2c: {  	_ = 	snop  }
0x2d: {  	[tilespmem:s9], [sflag:$0x3] =	stream.indirect.gather [spmem:s1], $0x80, s8, s8, $0xb8;
	[tilespmem:$0x19830] =	vst v63  }
0x2e: {  	_ =	swait.ge [sflag:s10], $0xC400  }
0x2f: {  	[sflag:s10] =	ssyncset.done $0x0  }
0x30: {  	s11 =	rddreg [dreg:$0x9];
	[sflag:s10] =	ssyncadd.s32 $0xFFFF3C00  }
0x31: {  	[hbm4b:s11+s2] =	stream.linear.scatter [tilespmem:s9], [sflag:$0x5], $0xC400, $0x38;
	[tilespmem:$0x19830] =	vst v63  }
0x32: {  	_ =	swait.ge [sflag:s3], $0xC400  }
0x33: {  	[sflag:s3] =	ssyncset.done $0x0  }
0x34: {  	[sflag:s3] =	ssyncadd.s32 $0xFFFF3C00  }
0x35: {  	[tilespmem:s5], [sflag:$0x2] =	stream.indirect.gather [spmem:s1], $0x80, s25, s8, $0xb8;
	[tilespmem:$0x19830] =	vst v63  }
0x36: {  	_ =	swait.ge [sflag:s7], $0xC400  }
0x37: {  	[sflag:s7] =	ssyncset.done $0x0  }
0x38: {  	s13 =	rddreg [dreg:$0xa];
	[sflag:s7] =	ssyncadd.s32 $0xFFFF3C00  }
0x39: {  	[hbm4b:s13+s2] =	stream.linear.scatter [tilespmem:s5], [sflag:$0x4], $0xC400, $0x38;
	[tilespmem:$0x19830] =	vst v63  }
0x3a: {  	_ =	swait.ge [sflag:s6], $0xC400  }
0x3b: {  	[sflag:s6] =	ssyncset.done $0x0  }
0x3c: {  	[sflag:s6] =	ssyncadd.s32 $0xFFFF3C00  }
0x3d: {  	[tilespmem:s9], [sflag:$0x3] =	stream.indirect.gather [spmem:s1], $0x80, s24, s8, $0xb8;
	[tilespmem:$0x19830] =	vst v63  }
0x3e: {  	_ =	swait.ge [sflag:s10], $0xC400  }
0x3f: {  	[sflag:s10] =	ssyncset.done $0x0  }
0x40: {  	s17 =	rddreg [dreg:$0xb];
	[sflag:s10] =	ssyncadd.s32 $0xFFFF3C00  }
0x41: {  	[hbm4b:s17+s2] =	stream.linear.scatter [tilespmem:s9], [sflag:$0x5], $0xC400, $0x38;
	[tilespmem:$0x19830] =	vst v63  }
0x42: {  	_ =	swait.ge [sflag:s3], $0xC400  }
0x43: {  	[sflag:s3] =	ssyncset.done $0x0  }
0x44: {  	[sflag:s3] =	ssyncadd.s32 $0xFFFF3C00  }
0x45: {  	[tilespmem:s5], [sflag:$0x2] =	stream.indirect.gather [spmem:s1], $0x80, s23, s8, $0xb8;
	[tilespmem:$0x19830] =	vst v63  }
0x46: {  	_ =	swait.ge [sflag:s7], $0xC400  }
0x47: {  	[sflag:s7] =	ssyncset.done $0x0  }
0x48: {  	s24 =	rddreg [dreg:$0xc];
	[sflag:s7] =	ssyncadd.s32 $0xFFFF3C00  }
0x49: {  	[hbm4b:s24+s2] =	stream.linear.scatter [tilespmem:s5], [sflag:$0x4], $0xC400, $0x38;
	[tilespmem:$0x19830] =	vst v63  }
0x4a: {  	_ =	swait.ge [sflag:s6], $0xC400  }
0x4b: {  	[sflag:s6] =	ssyncset.done $0x0  }
0x4c: {  	[sflag:s6] =	ssyncadd.s32 $0xFFFF3C00  }
0x4d: {  	[tilespmem:s9], [sflag:$0x3] =	stream.indirect.gather [spmem:s1], $0x80, s15, s8, $0xb8;
	[tilespmem:$0x19830] =	vst v63  }
0x4e: {  	_ =	swait.ge [sflag:s10], $0xC400  }
0x4f: {  	[sflag:s10] =	ssyncset.done $0x0  }
0x50: {  	s25 =	rddreg [dreg:$0xd];
	[sflag:s10] =	ssyncadd.s32 $0xFFFF3C00  }
0x51: {  	[hbm4b:s25+s2] =	stream.linear.scatter [tilespmem:s9], [sflag:$0x5], $0xC400, $0x38;
	[tilespmem:$0x19830] =	vst v63  }
0x52: {  	_ =	swait.ge [sflag:s3], $0xC400  }
0x53: {  	[sflag:s3] =	ssyncset.done $0x0  }
0x54: {  	[sflag:s3] =	ssyncadd.s32 $0xFFFF3C00  }
0x55: {  	[tilespmem:s5], [sflag:$0x2] =	stream.indirect.gather [spmem:s1], $0x80, s14, s8, $0xb8;
	[tilespmem:$0x19830] =	vst v63  }
0x56: {  	_ =	swait.ge [sflag:s7], $0xC400  }
0x57: {  	[sflag:s7] =	ssyncset.done $0x0  }
0x58: {  	s26 =	rddreg [dreg:$0xe];
	[sflag:s7] =	ssyncadd.s32 $0xFFFF3C00  }
0x59: {  	[hbm4b:s26+s2] =	stream.linear.scatter [tilespmem:s5], [sflag:$0x4], $0xC400, $0x38;
	[tilespmem:$0x19830] =	vst v63  }
0x5a: {  	_ =	swait.ge [sflag:s6], $0xC400  }
0x5b: {  	s23 =	simm.s32 @p1 $0xD080;
	s24 =	simm.s32 @p1 $0x3;
	[sflag:s6] =	ssyncset.done $0x0  }
0x5c: {  	s25 =	simm.s32 @p1 $0x28;
	s26 =	simm.s32 @p1 $0xAB8;
	[sflag:s6] =	ssyncadd.s32 $0xFFFF3C00  }
0x5d: {  	[tilespmem:s23], [sflag:$0x3] =	stream.indirect.gather @p1 [spmem:s1], $0x80, s26, s25, $0xb8;
	[tilespmem:$0x19830] =	vst v63  }
0x5e: {  	_ =	swait.ge @p1 [sflag:s24], $0x1400  }
0x5f: {  	[sflag:s24] =	ssyncset.done @p1 $0x0  }
0x60: {  	s28 =	simm.s32 @p1 $0x5;
	[sflag:s24] =	ssyncadd.s32 @p1 $0xFFFFEC00  }
0x61: {  	[hbm4b:s4+s18] =	stream.linear.scatter @p1 [tilespmem:s23], [sflag:$0x5], $0x1400, $0x38;
	[tilespmem:$0x19830] =	vst v63  }
0x62: {  	_ =	swait.ge @p1 [sflag:s28], $0x1400  }
0x63: {  	s29 =	simm.s32 @!p1 $0xD080;
	s30 =	simm.s32 @!p1 $0x3;
	[sflag:s28] =	ssyncset.done @p1 $0x0  }
0x64: {  	s31 =	simm.s32 @!p1 $0x188;
	s0 =	simm.s32 @!p1 $0xAB8;
	[sflag:s28] =	ssyncadd.s32 @p1 $0xFFFFEC00  }
0x65: {  	[tilespmem:s29], [sflag:$0x3] =	stream.indirect.gather @!p1 [spmem:s1], $0x80, s0, s31, $0xb8;
	[tilespmem:$0x19830] =	vst v63  }
0x66: {  	s12 =	sadd.s32 $0xFFFFFFFF, s12;
	_ =	swait.ge @!p1 [sflag:s30], $0xC400  }
0x67: {  	p3 =	sne.s32 s12, $0x0;
	[sflag:s30] =	ssyncset.done @!p1 $0x0  }
0x68: {  	s11 =	simm.s32 @!p1 $0x5;
	s13 =	rddreg [dreg:$0xf];
	[sflag:s30] =	ssyncadd.s32 @!p1 $0xFFFF3C00  }
0x69: {  	[hbm4b:s13+s20] =	stream.linear.scatter @!p1 [tilespmem:s29], [sflag:$0x5], $0xC400, $0x38;
	[tilespmem:$0x19830] =	vst v63  }
.Ltmp1:
0x6a: {  	_ =	swait.ge @!p1 [sflag:s11], $0xC400;
	(pc) =	sbr.rel @!p3 .LBB2_2-.Ltmp1, $4  }
0x6b: {  	[sflag:s11] =	ssyncset.done @!p1 $0x0  }
0x6c: {  	[sflag:s11] =	ssyncadd.s32 @!p1 $0xFFFF3C00  }
0x6d: {  	p2 =	por $0x1, $0x1;
	s15 =	simm.s32 $0x310;
	_ =	swait.ge [sflag:s3], $0xC400  }
0x6e: {  	s14 =	simm.s32 $0x498;
	s13 =	rddreg [dreg:$0x5];
	[sflag:s3] =	ssyncset.done $0x0  }
.LBB2_3:
0x6f: {  	[sflag:s3] =	ssyncadd.s32 $0xFFFF3C00;
	s17 =	simm.s32 @!p0 $0x1C01  }
0x70: {  	[spmem:s16], [sflag:s17] =	dma.local @!p0 [hbm:s13], $0x760  }
0x71: {  	s13 =	rddreg [dreg:$0x7]  }
0x72: {  	[tilespmem:s18], [sflag:$0x6] =	stream.linear.gather @p1 [hbm4b:s13+s18], $0xAE0, $0x38;
	[tilespmem:$0x19830] =	vst v63  }
0x73: {  	_ =	swait.ge @p1 [sflag:s19], $0xAE0  }
0x74: {  	[sflag:s19] =	ssyncset.done @p1 $0x0  }
0x75: {  	s13 =	rddreg [dreg:$0x6];
	[sflag:s19] =	ssyncadd.s32 @p1 $0xFFFFF520  }
0x76: {  	[tilespmem:s20], [sflag:$0x6] =	stream.linear.gather @!p1 [hbm4b:s13+s20], $0xC40, $0x38;
	[tilespmem:$0x19830] =	vst v63  }
0x77: {  	_ =	swait.ge @!p1 [sflag:s21], $0xC40  }
0x78: {  	[sflag:s21] =	ssyncset.done @!p1 $0x0  }
0x79: {  	[sflag:s21] =	ssyncadd.s32 @!p1 $0xFFFFF3C0  }
0x7a: {  	_ =	swait.ge @!p0 [sflag:s22], $0x760  }
0x7b: {  	[sflag:s22] =	ssyncset.done @!p0 $0x0  }
0x7c: {  	[sflag:s22] =	ssyncadd.s32 @!p0 $0xFFFFF8A0  }
0x7d: {  	[bflag:$0x0] =	sbarrier.arrive $0xFFFF  }
0x7e: {  	[tilespmem:s5], [sflag:$0x2] =	stream.indirect.gather [spmem:s1], $0x80, s2, s8, $0xb8;
	[tilespmem:$0x19830] =	vst v63  }
0x7f: {  	_ =	swait.ge [sflag:s7], $0xC400  }
0x80: {  	[sflag:s7] =	ssyncset.done $0x0  }
0x81: {  	s17 =	rddreg [dreg:$0x8];
	[sflag:s7] =	ssyncadd.s32 $0xFFFF3C00  }
0x82: {  	[hbm4b:s17+s2] =	stream.linear.scatter [tilespmem:s5], [sflag:$0x4], $0xC400, $0x38;
	[tilespmem:$0x19830] =	vst v63  }
0x83: {  	_ = 	snop  }
0x84: {  	[tilespmem:s9], [sflag:$0x3] =	stream.indirect.gather [spmem:s1], $0x80, s8, s8, $0xb8;
	[tilespmem:$0x19830] =	vst v63  }
0x85: {  	_ =	swait.ge [sflag:s10], $0xC400  }
0x86: {  	[sflag:s10] =	ssyncset.done $0x0  }
0x87: {  	s17 =	rddreg [dreg:$0x9];
	[sflag:s10] =	ssyncadd.s32 $0xFFFF3C00  }
0x88: {  	[hbm4b:s17+s2] =	stream.linear.scatter [tilespmem:s9], [sflag:$0x5], $0xC400, $0x38;
	[tilespmem:$0x19830] =	vst v63  }
0x89: {  	_ =	swait.ge [sflag:s3], $0xC400  }
0x8a: {  	[sflag:s3] =	ssyncset.done $0x0  }
0x8b: {  	[sflag:s3] =	ssyncadd.s32 $0xFFFF3C00  }
0x8c: {  	[tilespmem:s5], [sflag:$0x2] =	stream.indirect.gather [spmem:s1], $0x80, s15, s8, $0xb8;
	[tilespmem:$0x19830] =	vst v63  }
0x8d: {  	_ =	swait.ge [sflag:s7], $0xC400  }
0x8e: {  	[sflag:s7] =	ssyncset.done $0x0  }
0x8f: {  	s17 =	rddreg [dreg:$0xa];
	[sflag:s7] =	ssyncadd.s32 $0xFFFF3C00  }
0x90: {  	[hbm4b:s17+s2] =	stream.linear.scatter [tilespmem:s5], [sflag:$0x4], $0xC400, $0x38;
	[tilespmem:$0x19830] =	vst v63  }
0x91: {  	_ =	swait.ge [sflag:s6], $0xC400  }
0x92: {  	[sflag:s6] =	ssyncset.done $0x0  }
0x93: {  	[sflag:s6] =	ssyncadd.s32 $0xFFFF3C00  }
0x94: {  	[tilespmem:s9], [sflag:$0x3] =	stream.indirect.gather [spmem:s1], $0x80, s14, s8, $0xb8;
	[tilespmem:$0x19830] =	vst v63  }
0x95: {  	_ =	swait.ge [sflag:s10], $0xC400  }
0x96: {  	[sflag:s10] =	ssyncset.done $0x0  }
0x97: {  	s17 =	rddreg [dreg:$0xb];
	[sflag:s10] =	ssyncadd.s32 $0xFFFF3C00  }
0x98: {  	[hbm4b:s17+s2] =	stream.linear.scatter [tilespmem:s9], [sflag:$0x5], $0xC400, $0x38;
	[tilespmem:$0x19830] =	vst v63  }
0x99: {  	_ =	swait.ge [sflag:s3], $0xC400  }
0x9a: {  	[sflag:s3] =	ssyncset.done $0x0  }
0x9b: {  	s17 =	simm.s32 $0x620;
	[sflag:s3] =	ssyncadd.s32 $0xFFFF3C00  }
0x9c: {  	[tilespmem:s5], [sflag:$0x2] =	stream.indirect.gather [spmem:s1], $0x80, s17, s8, $0xb8;
	[tilespmem:$0x19830] =	vst v63  }
0x9d: {  	_ =	swait.ge [sflag:s7], $0xC400  }
0x9e: {  	[sflag:s7] =	ssyncset.done $0x0  }
0x9f: {  	s17 =	rddreg [dreg:$0xc];
	[sflag:s7] =	ssyncadd.s32 $0xFFFF3C00  }
0xa0: {  	[hbm4b:s17+s2] =	stream.linear.scatter [tilespmem:s5], [sflag:$0x4], $0xC400, $0x38;
	[tilespmem:$0x19830] =	vst v63  }
0xa1: {  	_ =	swait.ge [sflag:s6], $0xC400  }
0xa2: {  	[sflag:s6] =	ssyncset.done $0x0  }
0xa3: {  	s17 =	simm.s32 $0x7A8;
	[sflag:s6] =	ssyncadd.s32 $0xFFFF3C00  }
0xa4: {  	[tilespmem:s9], [sflag:$0x3] =	stream.indirect.gather [spmem:s1], $0x80, s17, s8, $0xb8;
	[tilespmem:$0x19830] =	vst v63  }
0xa5: {  	_ =	swait.ge [sflag:s10], $0xC400  }
0xa6: {  	[sflag:s10] =	ssyncset.done $0x0  }
0xa7: {  	s17 =	rddreg [dreg:$0xd];
	[sflag:s10] =	ssyncadd.s32 $0xFFFF3C00  }
0xa8: {  	[hbm4b:s17+s2] =	stream.linear.scatter [tilespmem:s9], [sflag:$0x5], $0xC400, $0x38;
	[tilespmem:$0x19830] =	vst v63  }
0xa9: {  	_ =	swait.ge [sflag:s3], $0xC400  }
0xaa: {  	[sflag:s3] =	ssyncset.done $0x0  }
0xab: {  	s17 =	simm.s32 $0x930;
	[sflag:s3] =	ssyncadd.s32 $0xFFFF3C00  }
0xac: {  	[tilespmem:s5], [sflag:$0x2] =	stream.indirect.gather [spmem:s1], $0x80, s17, s8, $0xb8;
	[tilespmem:$0x19830] =	vst v63  }
0xad: {  	_ =	swait.ge [sflag:s7], $0xC400  }
0xae: {  	[sflag:s7] =	ssyncset.done $0x0  }
0xaf: {  	s17 =	rddreg [dreg:$0xe];
	[sflag:s7] =	ssyncadd.s32 $0xFFFF3C00  }
0xb0: {  	[hbm4b:s17+s2] =	stream.linear.scatter [tilespmem:s5], [sflag:$0x4], $0xC400, $0x38;
	[tilespmem:$0x19830] =	vst v63  }
0xb1: {  	_ =	swait.ge [sflag:s6], $0xC400  }
0xb2: {  	[sflag:s6] =	ssyncset.done $0x0  }
0xb3: {  	[sflag:s6] =	ssyncadd.s32 $0xFFFF3C00  }
0xb4: {  	[tilespmem:s23], [sflag:$0x3] =	stream.indirect.gather @p1 [spmem:s1], $0x80, s26, s25, $0xb8;
	[tilespmem:$0x19830] =	vst v63  }
0xb5: {  	_ =	swait.ge @p1 [sflag:s24], $0x1400  }
0xb6: {  	[sflag:s24] =	ssyncset.done @p1 $0x0  }
0xb7: {  	[sflag:s24] =	ssyncadd.s32 @p1 $0xFFFFEC00  }
0xb8: {  	[hbm4b:s4+s18] =	stream.linear.scatter @p1 [tilespmem:s23], [sflag:$0x5], $0x1400, $0x38;
	[tilespmem:$0x19830] =	vst v63  }
0xb9: {  	_ =	swait.ge @p1 [sflag:s28], $0x1400  }
0xba: {  	[sflag:s28] =	ssyncset.done @p1 $0x0  }
0xbb: {  	[sflag:s28] =	ssyncadd.s32 @p1 $0xFFFFEC00  }
0xbc: {  	[tilespmem:s29], [sflag:$0x3] =	stream.indirect.gather @!p1 [spmem:s1], $0x80, s0, s31, $0xb8;
	[tilespmem:$0x19830] =	vst v63  }
0xbd: {  	_ =	swait.ge @!p1 [sflag:s30], $0xC400  }
0xbe: {  	s12 =	sadd.s32 $0xFFFFFFFF, s12;
	[sflag:s30] =	ssyncset.done @!p1 $0x0  }
0xbf: {  	p3 =	sne.s32 s12, $0x0;
	s13 =	rddreg [dreg:$0xf];
	[sflag:s30] =	ssyncadd.s32 @!p1 $0xFFFF3C00  }
0xc0: {  	[hbm4b:s13+s20] =	stream.linear.scatter @!p1 [tilespmem:s29], [sflag:$0x5], $0xC400, $0x38;
	[tilespmem:$0x19830] =	vst v63  }
.Ltmp2:
0xc1: {  	_ =	swait.ge @!p1 [sflag:s11], $0xC400;
	(pc) =	sbr.rel @p3 .LBB2_3-.Ltmp2, $4  }
0xc2: {  	[sflag:s11] =	ssyncset.done @!p1 $0x0  }
0xc3: {  	[sflag:s11] =	ssyncadd.s32 @!p1 $0xFFFF3C00  }
0xc4: {  	_ =	swait.ge [sflag:s3], $0xC400  }
0xc5: {  	s13 =	rddreg [dreg:$0x5];
	[sflag:s3] =	ssyncset.done $0x0  }
0xc6: {  	s17 =	rddreg [dreg:$0x4];
	s14 =	simm.s32 $0x930;
	s15 =	simm.s32 $0x7A8  }
0xc7: {  	s23 =	simm.s32 $0x620;
	s24 =	simm.s32 $0x498;
	s25 =	simm.s32 $0x310  }
.LBB2_5:
0xc8: {  	[sflag:s3] =	ssyncadd.s32 @p2 $0xFFFF3C00;
	s0 =	simm.s32 @!p0 $0x1C01  }
0xc9: {  	[spmem:s16], [sflag:s0] =	dma.local @!p0 [hbm:s13], $0x760  }
0xca: {  	s11 =	simm.s32 @p1 $0x0;
	s12 =	simm.s32 @p1 $0x6;
	s0 =	rddreg [dreg:$0x7]  }
0xcb: {  	[tilespmem:s11], [sflag:$0x6] =	stream.linear.gather @p1 [hbm4b:s0+s11], $0xAE0, $0x38;
	[tilespmem:$0x19830] =	vst v63  }
0xcc: {  	_ =	swait.ge @p1 [sflag:s12], $0xAE0  }
0xcd: {  	s0 =	simm.s32 @!p1 $0x0;
	[sflag:s12] =	ssyncset.done @p1 $0x0  }
0xce: {  	s13 =	rddreg [dreg:$0x6];
	[sflag:s12] =	ssyncadd.s32 @p1 $0xFFFFF520;
	s12 =	simm.s32 @!p1 $0x6  }
0xcf: {  	[tilespmem:s0], [sflag:$0x6] =	stream.linear.gather @!p1 [hbm4b:s13+s0], $0xC40, $0x38;
	[tilespmem:$0x19830] =	vst v63  }
0xd0: {  	_ =	swait.ge @!p1 [sflag:s12], $0xC40  }
0xd1: {  	[sflag:s12] =	ssyncset.done @!p1 $0x0  }
0xd2: {  	[sflag:s12] =	ssyncadd.s32 @!p1 $0xFFFFF3C0;
	s12 =	simm.s32 @!p0 $0x1  }
0xd3: {  	_ =	swait.ge @!p0 [sflag:s12], $0x760  }
0xd4: {  	[sflag:s12] =	ssyncset.done @!p0 $0x0  }
0xd5: {  	[sflag:s12] =	ssyncadd.s32 @!p0 $0xFFFFF8A0  }
0xd6: {  	[bflag:$0x0] =	sbarrier.arrive $0xFFFF  }
0xd7: {  	[tilespmem:s5], [sflag:$0x2] =	stream.indirect.gather [spmem:s1], $0x80, s2, s8, $0xb8;
	[tilespmem:$0x19830] =	vst v63  }
0xd8: {  	_ =	swait.ge [sflag:s7], $0xC400  }
0xd9: {  	[sflag:s7] =	ssyncset.done $0x0  }
0xda: {  	s21 =	rddreg [dreg:$0x8];
	[sflag:s7] =	ssyncadd.s32 $0xFFFF3C00  }
0xdb: {  	[hbm4b:s21+s2] =	stream.linear.scatter [tilespmem:s5], [sflag:$0x4], $0xC400, $0x38;
	[tilespmem:$0x19830] =	vst v63  }
0xdc: {  	_ = 	snop  }
0xdd: {  	[tilespmem:s9], [sflag:$0x3] =	stream.indirect.gather [spmem:s1], $0x80, s8, s8, $0xb8;
	[tilespmem:$0x19830] =	vst v63  }
0xde: {  	_ =	swait.ge [sflag:s10], $0xC400  }
0xdf: {  	[sflag:s10] =	ssyncset.done $0x0  }
0xe0: {  	s22 =	rddreg [dreg:$0x9];
	[sflag:s10] =	ssyncadd.s32 $0xFFFF3C00  }
0xe1: {  	[hbm4b:s22+s2] =	stream.linear.scatter [tilespmem:s9], [sflag:$0x5], $0xC400, $0x38;
	[tilespmem:$0x19830] =	vst v63  }
0xe2: {  	_ =	swait.ge [sflag:s3], $0xC400  }
0xe3: {  	[sflag:s3] =	ssyncset.done $0x0  }
0xe4: {  	[sflag:s3] =	ssyncadd.s32 $0xFFFF3C00  }
0xe5: {  	[tilespmem:s5], [sflag:$0x2] =	stream.indirect.gather [spmem:s1], $0x80, s25, s8, $0xb8;
	[tilespmem:$0x19830] =	vst v63  }
0xe6: {  	_ =	swait.ge [sflag:s7], $0xC400  }
0xe7: {  	[sflag:s7] =	ssyncset.done $0x0  }
0xe8: {  	s26 =	rddreg [dreg:$0xa];
	[sflag:s7] =	ssyncadd.s32 $0xFFFF3C00  }
0xe9: {  	[hbm4b:s26+s2] =	stream.linear.scatter [tilespmem:s5], [sflag:$0x4], $0xC400, $0x38;
	[tilespmem:$0x19830] =	vst v63  }
0xea: {  	_ =	swait.ge [sflag:s6], $0xC400  }
0xeb: {  	[sflag:s6] =	ssyncset.done $0x0  }
0xec: {  	[sflag:s6] =	ssyncadd.s32 $0xFFFF3C00  }
0xed: {  	[tilespmem:s9], [sflag:$0x3] =	stream.indirect.gather [spmem:s1], $0x80, s24, s8, $0xb8;
	[tilespmem:$0x19830] =	vst v63  }
0xee: {  	_ =	swait.ge [sflag:s10], $0xC400  }
0xef: {  	[sflag:s10] =	ssyncset.done $0x0  }
0xf0: {  	s28 =	rddreg [dreg:$0xb];
	[sflag:s10] =	ssyncadd.s32 $0xFFFF3C00  }
0xf1: {  	[hbm4b:s28+s2] =	stream.linear.scatter [tilespmem:s9], [sflag:$0x5], $0xC400, $0x38;
	[tilespmem:$0x19830] =	vst v63  }
0xf2: {  	_ =	swait.ge [sflag:s3], $0xC400  }
0xf3: {  	[sflag:s3] =	ssyncset.done $0x0  }
0xf4: {  	[sflag:s3] =	ssyncadd.s32 $0xFFFF3C00  }
0xf5: {  	[tilespmem:s5], [sflag:$0x2] =	stream.indirect.gather [spmem:s1], $0x80, s23, s8, $0xb8;
	[tilespmem:$0x19830] =	vst v63  }
0xf6: {  	_ =	swait.ge [sflag:s7], $0xC400  }
0xf7: {  	[sflag:s7] =	ssyncset.done $0x0  }
0xf8: {  	s29 =	rddreg [dreg:$0xc];
	[sflag:s7] =	ssyncadd.s32 $0xFFFF3C00  }
0xf9: {  	[hbm4b:s29+s2] =	stream.linear.scatter [tilespmem:s5], [sflag:$0x4], $0xC400, $0x38;
	[tilespmem:$0x19830] =	vst v63  }
0xfa: {  	_ =	swait.ge [sflag:s6], $0xC400  }
0xfb: {  	[sflag:s6] =	ssyncset.done $0x0  }
0xfc: {  	[sflag:s6] =	ssyncadd.s32 $0xFFFF3C00  }
0xfd: {  	[tilespmem:s9], [sflag:$0x3] =	stream.indirect.gather [spmem:s1], $0x80, s15, s8, $0xb8;
	[tilespmem:$0x19830] =	vst v63  }
0xfe: {  	_ =	swait.ge [sflag:s10], $0xC400  }
0xff: {  	[sflag:s10] =	ssyncset.done $0x0  }
0x100: {  	s30 =	rddreg [dreg:$0xd];
	[sflag:s10] =	ssyncadd.s32 $0xFFFF3C00  }
0x101: {  	[hbm4b:s30+s2] =	stream.linear.scatter [tilespmem:s9], [sflag:$0x5], $0xC400, $0x38;
	[tilespmem:$0x19830] =	vst v63  }
0x102: {  	_ =	swait.ge [sflag:s3], $0xC400  }
0x103: {  	[sflag:s3] =	ssyncset.done $0x0  }
0x104: {  	[sflag:s3] =	ssyncadd.s32 $0xFFFF3C00  }
0x105: {  	[tilespmem:s5], [sflag:$0x2] =	stream.indirect.gather [spmem:s1], $0x80, s14, s8, $0xb8;
	[tilespmem:$0x19830] =	vst v63  }
0x106: {  	_ =	swait.ge [sflag:s7], $0xC400  }
0x107: {  	[sflag:s7] =	ssyncset.done $0x0  }
0x108: {  	s31 =	rddreg [dreg:$0xe];
	[sflag:s7] =	ssyncadd.s32 $0xFFFF3C00  }
0x109: {  	[hbm4b:s31+s2] =	stream.linear.scatter [tilespmem:s5], [sflag:$0x4], $0xC400, $0x38;
	[tilespmem:$0x19830] =	vst v63  }
0x10a: {  	_ =	swait.ge [sflag:s6], $0xC400  }
0x10b: {  	s7 =	simm.s32 @p1 $0xAB8;
	s2 =	simm.s32 @p1 $0xD080;
	[sflag:s6] =	ssyncset.done $0x0  }
0x10c: {  	s5 =	simm.s32 @p1 $0x3;
	[sflag:s6] =	ssyncadd.s32 $0xFFFF3C00;
	s6 =	simm.s32 @p1 $0x28  }
0x10d: {  	[tilespmem:s2], [sflag:$0x3] =	stream.indirect.gather @p1 [spmem:s1], $0x80, s7, s6, $0xb8;
	[tilespmem:$0x19830] =	vst v63  }
0x10e: {  	_ =	swait.ge @p1 [sflag:s5], $0x1400  }
0x10f: {  	[sflag:s5] =	ssyncset.done @p1 $0x0  }
0x110: {  	[sflag:s5] =	ssyncadd.s32 @p1 $0xFFFFEC00;
	s5 =	simm.s32 @p1 $0x5  }
0x111: {  	[hbm4b:s4+s11] =	stream.linear.scatter @p1 [tilespmem:s2], [sflag:$0x5], $0x1400, $0x38;
	[tilespmem:$0x19830] =	vst v63  }
0x112: {  	_ =	swait.ge @p1 [sflag:s5], $0x1400  }
0x113: {  	s6 =	simm.s32 @!p1 $0xAB8;
	s2 =	simm.s32 @!p1 $0xD080;
	[sflag:s5] =	ssyncset.done @p1 $0x0  }
0x114: {  	s4 =	simm.s32 @!p1 $0x3;
	[sflag:s5] =	ssyncadd.s32 @p1 $0xFFFFEC00;
	s5 =	simm.s32 @!p1 $0x188  }
0x115: {  	[tilespmem:s2], [sflag:$0x3] =	stream.indirect.gather @!p1 [spmem:s1], $0x80, s6, s5, $0xb8;
	[tilespmem:$0x19830] =	vst v63  }
0x116: {  	_ =	swait.ge @!p1 [sflag:s4], $0xC400  }
0x117: {  	[sflag:s4] =	ssyncset.done @!p1 $0x0  }
0x118: {  	s1 =	rddreg [dreg:$0xf];
	[sflag:s4] =	ssyncadd.s32 @!p1 $0xFFFF3C00;
	s4 =	simm.s32 @!p1 $0x5  }
0x119: {  	[hbm4b:s1+s0] =	stream.linear.scatter @!p1 [tilespmem:s2], [sflag:$0x5], $0xC400, $0x38;
	[tilespmem:$0x19830] =	vst v63  }
0x11a: {  	_ =	swait.ge @!p1 [sflag:s4], $0xC400  }
0x11b: {  	[sflag:s4] =	ssyncset.done @!p1 $0x0  }
0x11c: {  	[sflag:s4] =	ssyncadd.s32 @!p1 $0xFFFF3C00  }
0x11d: {  	_ =	swait.ge [sflag:s3], $0xC400  }
0x11e: {  	[sflag:s3] =	ssyncset.done $0x0  }
0x11f: {  	[sflag:s3] =	ssyncadd.s32 $0xFFFF3C00  }
0x120: {  	_ =	sfence.sel $0x180000  }
0x121: {  	[bflag:$0x0] =	sbarrier.arrive $0xFFFF  }
0x122: {  	_ =	strace $0x90000047  }
0x123: {  	s0 =	sadd.s32 @!p0 $0x100000, s17;
	[bflag:$0x2] =	sbarrier.arrive $0xFFFF  }
0x124: {  	[sflag:s0] =	ssyncadd.tile.s32 @!p0 $0x1;
	_ =	shalt  }
.LBB2_2:
.Ltmp3:
0x125: {  	(pc) =	sbr.rel .LBB2_5-.Ltmp3, $3  }
0x126: {  	_ =	sdelay $0x1  }
0x127: {  	s17 =	rddreg [dreg:$0x4];
	s14 =	simm.s32 $0x930;
	s15 =	simm.s32 $0x7A8  }
0x128: {  	s23 =	simm.s32 $0x620;
	s24 =	simm.s32 $0x498;
	s25 =	simm.s32 $0x310  }
.Lfunc_end2:
_tile_overlayer_lowered:
.L_overlay_start_2:
0x129: {  	(tag) =	ssettag $0x2  }
0x12a: {  	s0 =	rddreg [dreg:$0x0];
	s2 =	stileid.u32  }
0x12b: {  	s1 =	rddreg [dreg:$0x1];
	p0 =	sne.s32 s2, $0x0  }
0x12c: {  	s3 =	rddreg [dreg:$0x2];
	[bflag:$0x3] =	sbarrier.arrive $0xFFFF;
	s2 =	simm.s32 @!p0 $0x1C06  }
0x12d: {  	[timem:s3], [sflag:s2] =	dma.local @!p0 [hbm:s0], s1  }
0x12e: {  	s0 =	simm.s32 @!p0 $0x6  }
0x12f: {  	_ =	swait.ge @!p0 [sflag:s0], s1  }
0x130: {  	s1 =	ssub.s32 @!p0 $0x0, s1;
	[sflag:s0] =	ssyncset.done @!p0 $0x0  }
0x131: {  	[sflag:s0] =	ssyncadd.s32 @!p0 s1  }
0x132: {  	[bflag:$0x3] =	sbarrier.arrive $0xFFFF  }
0x133: {  	_ =	shalt  }

</sc_bundles>
